<compile_context>
chip_gen: v7x
topology: tpu7x:2x2x1
jax: 0.10.2.dev20260603
libtpu: 0.0.44.dev20260713+nightly
codegen_flags: <defaults>
</compile_context>

<pallas_src>
import functools

import jax
import jax.numpy as jnp
from jax import lax
from jax.experimental import pallas as pl
from jax.experimental.pallas import tpu as pltpu
from jax.experimental.pallas import tpu_sc as plsc

N = 16384
K = 50
V1, D = 1000, 2
V2 = 100
NC, NS, L = 2, 16, 16
NW = NC * NS
RPW = N // NW
G = RPW // L
NA = 4

_mesh = plsc.VectorSubcoreMesh(core_axis_name="c", subcore_axis_name="s")


@functools.partial(
    pl.kernel,
    out_type=[
        jax.ShapeDtypeStruct((N * D,), jnp.float32),
        jax.ShapeDtypeStruct((N * D,), jnp.float32),
    ],
    mesh=_mesh,
    compiler_params=pltpu.CompilerParams(needs_layout_passes=False),
    scratch_types=[
        pltpu.VMEM((RPW,), jnp.int32),
        pltpu.VMEM((RPW * K,), jnp.int32),
        pltpu.VMEM((V1 * D,), jnp.float32),
        pltpu.VMEM((V2 * D,), jnp.float32),
        pltpu.VMEM((RPW * D,), jnp.float32),
        pltpu.VMEM((RPW * D,), jnp.float32),
        pltpu.SemaphoreType.DMA,
    ],
)
def _sc_kernel(idx_hbm, bag_hbm, w1_hbm, w2_hbm, out1_hbm, out2_hbm,
               idx_v, bag_v, w1_v, w2_v, o1_v, o2_v, bag_sem):
    wid = lax.axis_index("s") * NC + lax.axis_index("c")
    base = wid * RPW

    bag_cp = pltpu.async_copy(
        bag_hbm.at[pl.ds(base * K, RPW * K)], bag_v, bag_sem)
    pltpu.sync_copy(idx_hbm.at[pl.ds(base, RPW)], idx_v)
    pltpu.sync_copy(w1_hbm, w1_v)
    pltpu.sync_copy(w2_hbm, w2_v)

    lanes = lax.iota(jnp.int32, L)
    lanes_k = lanes * K
    lanes_2 = lanes * 2

    def o1_body(j):
        idx = idx_v[pl.ds(j * L, L)]
        i2 = idx + idx
        c0 = jnp.maximum(plsc.load_gather(w1_v, [i2]), 0.0)
        c1 = jnp.maximum(plsc.load_gather(w1_v, [i2 + 1]), 0.0)
        pos = lanes_2 + j * (2 * L)
        plsc.store_scatter(o1_v, [pos], c0)
        plsc.store_scatter(o1_v, [pos + 1], c1)

    plsc.parallel_loop(0, G)(o1_body)

    pltpu.sync_copy(o1_v, out1_hbm.at[pl.ds(base * D, RPW * D)])
    bag_cp.wait()

    zero = jnp.zeros((L,), jnp.float32)

    def o2_body(j):
        pos0 = lanes_k + j * (L * K)
        a0 = [zero] * NA
        a1 = [zero] * NA
        for k in range(K):
            b = plsc.load_gather(bag_v, [pos0 + k])
            b2 = b + b
            a0[k % NA] = a0[k % NA] + plsc.load_gather(w2_v, [b2])
            a1[k % NA] = a1[k % NA] + plsc.load_gather(w2_v, [b2 + 1])
        s0 = (a0[0] + a0[1]) + (a0[2] + a0[3])
        s1 = (a1[0] + a1[1]) + (a1[2] + a1[3])
        pos = lanes_2 + j * (2 * L)
        plsc.store_scatter(o2_v, [pos], s0)
        plsc.store_scatter(o2_v, [pos + 1], s1)

    plsc.parallel_loop(0, G)(o2_body)

    pltpu.sync_copy(o2_v, out2_hbm.at[pl.ds(base * D, RPW * D)])


def kernel(indices, bag_indices, W1, W2):
    out1, out2 = _sc_kernel(
        indices, bag_indices.reshape(-1), W1.reshape(-1), W2.reshape(-1)
    )
    return out1.reshape(N, D), out2.reshape(N, D)

# --- scband reference (transcript-rebuilt; emitter-appended) ---
"""Pipeline reference for scband-my-block-64158221467944 (READ-ONLY COPY).

The authoritative reference and input builder live on the scoring server;
editing this copy changes nothing except your own understanding.
"""

import jax, jax.numpy as jnp
import numpy as np


def setup_inputs(seed: int = 0) -> dict:
    key = jax.random.key(seed)
    k1, k2, k3, k4 = jax.random.split(key, 4)
    indices = jax.random.randint(k1, (16384,), 0, 1000, dtype=jnp.int32)
    bag_indices = jax.random.randint(k2, (16384, 50), 0, 100, dtype=jnp.int32)
    # Learned parameters: NVEmbedding(1000, 2) table and NVEmbeddingBag(100, 2) table
    W1 = jax.random.normal(k3, (1000, 2), dtype=jnp.float32)
    W2 = jax.random.normal(k4, (100, 2), dtype=jnp.float32)
    return {"indices": indices, "bag_indices": bag_indices, "W1": W1, "W2": W2}


def reference(indices, bag_indices, W1, W2):
    # seq: NVEmbedding lookup followed by ReLU
    out1 = jax.nn.relu(jnp.take(W1, indices, axis=0))
    # emb_layer: NVEmbeddingBag with mode='sum' over each bag (2D input, one bag per row)
    out2 = jnp.sum(jnp.take(W2, bag_indices, axis=0), axis=1)
    return (out1, out2)

if __name__ == "__main__":
    import jax
    _d = setup_inputs()
    print(jax.jit(kernel)(*tuple(_d.values())))

</pallas_src>

<mosaic_0001>
#map = affine_map<(d0, d1) -> (0)>
module attributes {stable_mosaic.version = 14 : i64} {
  func.func @_sc_kernel(%arg0: i32, %arg1: i32, %arg2: memref<16384xi32, #tpu.memory_space<hbm>>, %arg3: memref<819200xi32, #tpu.memory_space<hbm>>, %arg4: memref<2000xf32, #tpu.memory_space<hbm>>, %arg5: memref<200xf32, #tpu.memory_space<hbm>>, %arg6: memref<32768xf32, #tpu.memory_space<hbm>>, %arg7: memref<32768xf32, #tpu.memory_space<hbm>>, %arg8: memref<512xi32, #tpu.memory_space<vmem>>, %arg9: memref<25600xi32, #tpu.memory_space<vmem>>, %arg10: memref<2000xf32, #tpu.memory_space<vmem>>, %arg11: memref<200xf32, #tpu.memory_space<vmem>>, %arg12: memref<1024xf32, #tpu.memory_space<vmem>>, %arg13: memref<1024xf32, #tpu.memory_space<vmem>>, %arg14: memref<!tpu.dma_semaphore, #tpu.memory_space<semaphore_mem>>) attributes {dimension_semantics = [#tpu.dimension_semantics<core_parallel>, #tpu.dimension_semantics<subcore_parallel>], iteration_bounds = array<i64: 2, 16>, scalar_prefetch = 0 : i64, scratch_operands = 7 : i64, tpu.core_type = #tpu.core_type<sc_vector_subcore>, window_params = [{transform_indices = #map}, {transform_indices = #map}, {transform_indices = #map}, {transform_indices = #map}, {transform_indices = #map}, {transform_indices = #map}]} {
    %mul3A = arith.constant 2 : i32
    %mul3A_0 = arith.muli %arg1, %mul3A : i32
    %add3A = arith.addi %mul3A_0, %arg0 : i32
    %mul3A_1 = arith.constant 512 : i32
    %mul3A_2 = arith.muli %add3A, %mul3A_1 : i32
    %mul3A_3 = arith.constant 50 : i32
    %mul3A_4 = arith.muli %mul3A_2, %mul3A_3 : i32
    %dma_start3A = tpu.memref_slice %arg3[%mul3A_4] : memref<819200xi32, #tpu.memory_space<hbm>> -> memref<25600xi32, #tpu.memory_space<hbm>>
    %dma_start3A_5 = tpu.memref_slice %arg3[%mul3A_4] : memref<819200xi32, #tpu.memory_space<hbm>> -> memref<25600xi32, #tpu.memory_space<hbm>>
    tpu.enqueue_dma source(%dma_start3A_5 : memref<25600xi32, #tpu.memory_space<hbm>>) target(%arg9 : memref<25600xi32, #tpu.memory_space<vmem>>) target_semaphore(%arg14 : memref<!tpu.dma_semaphore, #tpu.memory_space<semaphore_mem>>)
    "tpu.region"() ({
      %run_scoped3A = tpu.sem_alloc : memref<!tpu.dma_semaphore, #tpu.memory_space<semaphore_mem>>
      %dma_start3A_23 = tpu.memref_slice %arg2[%mul3A_2] : memref<16384xi32, #tpu.memory_space<hbm>> -> memref<512xi32, #tpu.memory_space<hbm>>
      %dma_start3A_24 = tpu.memref_slice %arg2[%mul3A_2] : memref<16384xi32, #tpu.memory_space<hbm>> -> memref<512xi32, #tpu.memory_space<hbm>>
      tpu.enqueue_dma source(%dma_start3A_24 : memref<512xi32, #tpu.memory_space<hbm>>) target(%arg8 : memref<512xi32, #tpu.memory_space<vmem>>) target_semaphore(%run_scoped3A : memref<!tpu.dma_semaphore, #tpu.memory_space<semaphore_mem>>)
      %dma_wait3A_25 = tpu.memref_slice %arg2[%mul3A_2] : memref<16384xi32, #tpu.memory_space<hbm>> -> memref<512xi32, #tpu.memory_space<hbm>>
      %dma_wait3A_26 = tpu.memref_slice %arg2[%mul3A_2] : memref<16384xi32, #tpu.memory_space<hbm>> -> memref<512xi32, #tpu.memory_space<hbm>>
      tpu.wait_dma2 semaphore(%run_scoped3A : memref<!tpu.dma_semaphore, #tpu.memory_space<semaphore_mem>>) src(%dma_wait3A_26 : memref<512xi32, #tpu.memory_space<hbm>>) dst(%arg8 : memref<512xi32, #tpu.memory_space<vmem>>)
      tpu.yield
    }) : () -> ()
    "tpu.region"() ({
      %run_scoped3A = tpu.sem_alloc : memref<!tpu.dma_semaphore, #tpu.memory_space<semaphore_mem>>
      tpu.enqueue_dma source(%arg4 : memref<2000xf32, #tpu.memory_space<hbm>>) target(%arg10 : memref<2000xf32, #tpu.memory_space<vmem>>) target_semaphore(%run_scoped3A : memref<!tpu.dma_semaphore, #tpu.memory_space<semaphore_mem>>)
      tpu.wait_dma2 semaphore(%run_scoped3A : memref<!tpu.dma_semaphore, #tpu.memory_space<semaphore_mem>>) src(%arg4 : memref<2000xf32, #tpu.memory_space<hbm>>) dst(%arg10 : memref<2000xf32, #tpu.memory_space<vmem>>)
      tpu.yield
    }) : () -> ()
    "tpu.region"() ({
      %run_scoped3A = tpu.sem_alloc : memref<!tpu.dma_semaphore, #tpu.memory_space<semaphore_mem>>
      tpu.enqueue_dma source(%arg5 : memref<200xf32, #tpu.memory_space<hbm>>) target(%arg11 : memref<200xf32, #tpu.memory_space<vmem>>) target_semaphore(%run_scoped3A : memref<!tpu.dma_semaphore, #tpu.memory_space<semaphore_mem>>)
      tpu.wait_dma2 semaphore(%run_scoped3A : memref<!tpu.dma_semaphore, #tpu.memory_space<semaphore_mem>>) src(%arg5 : memref<200xf32, #tpu.memory_space<hbm>>) dst(%arg11 : memref<200xf32, #tpu.memory_space<vmem>>)
      tpu.yield
    }) : () -> ()
    %iota3A = tpu.iota {dimensions = array<i32: 0>} : vector<16xi32>
    %mul3A_6 = arith.constant 50 : i32
    %mul3A_7 = vector.broadcast %mul3A_6 : i32 to vector<16xi32>
    %mul3A_8 = arith.muli %iota3A, %mul3A_7 : vector<16xi32>
    %mul3A_9 = arith.constant 2 : i32
    %mul3A_10 = vector.broadcast %mul3A_9 : i32 to vector<16xi32>
    %mul3A_11 = arith.muli %iota3A, %mul3A_10 : vector<16xi32>
    %parallel_loop3A = arith.constant 0 : i32
    %parallel_loop3A_12 = arith.constant 32 : i32
    %parallel_loop3A_13 = arith.constant 1 : i32
    scf.for %parallel_loop3A_23 = %parallel_loop3A to %parallel_loop3A_12 step %parallel_loop3A_13  : i32 {
      %parallel_loop3A_24 = arith.constant 16 : i32
      %parallel_loop3A_25 = arith.muli %parallel_loop3A_23, %parallel_loop3A_24 : i32
      %parallel_loop3A_26 = arith.index_cast %parallel_loop3A_25 : i32 to index
      %parallel_loop3A_27 = tpu.vector_load %arg8[%parallel_loop3A_26] {strides = array<i32>} : memref<512xi32, #tpu.memory_space<vmem>>, vector<16xi32>,
      %parallel_loop3A_28 = arith.addi %parallel_loop3A_27, %parallel_loop3A_27 : vector<16xi32>
      %parallel_loop3A_29 = tpu.vector_load_idx %arg10[%parallel_loop3A_28] : memref<2000xf32, #tpu.memory_space<vmem>>[vector<16xi32>], vector<16xf32>,
      %parallel_loop3A_30 = arith.constant 0.000000e+00 : f32
      %parallel_loop3A_31 = vector.broadcast %parallel_loop3A_30 : f32 to vector<16xf32>
      %parallel_loop3A_32 = arith.maximumf %parallel_loop3A_29, %parallel_loop3A_31 : vector<16xf32>
      %parallel_loop3A_33 = arith.constant 1 : i32
      %parallel_loop3A_34 = vector.broadcast %parallel_loop3A_33 : i32 to vector<16xi32>
      %parallel_loop3A_35 = arith.addi %parallel_loop3A_28, %parallel_loop3A_34 : vector<16xi32>
      %parallel_loop3A_36 = tpu.vector_load_idx %arg10[%parallel_loop3A_35] : memref<2000xf32, #tpu.memory_space<vmem>>[vector<16xi32>], vector<16xf32>,
      %parallel_loop3A_37 = arith.constant 0.000000e+00 : f32
      %parallel_loop3A_38 = vector.broadcast %parallel_loop3A_37 : f32 to vector<16xf32>
      %parallel_loop3A_39 = arith.maximumf %parallel_loop3A_36, %parallel_loop3A_38 : vector<16xf32>
      %parallel_loop3A_40 = arith.constant 32 : i32
      %parallel_loop3A_41 = arith.muli %parallel_loop3A_23, %parallel_loop3A_40 : i32
      %parallel_loop3A_42 = vector.broadcast %parallel_loop3A_41 : i32 to vector<16xi32>
      %parallel_loop3A_43 = arith.addi %mul3A_11, %parallel_loop3A_42 : vector<16xi32>
      tpu.vector_store_idx %arg12[%parallel_loop3A_43], %parallel_loop3A_32 : memref<1024xf32, #tpu.memory_space<vmem>>[vector<16xi32>], vector<16xf32>,
      %parallel_loop3A_44 = arith.constant 1 : i32
      %parallel_loop3A_45 = vector.broadcast %parallel_loop3A_44 : i32 to vector<16xi32>
      %parallel_loop3A_46 = arith.addi %parallel_loop3A_43, %parallel_loop3A_45 : vector<16xi32>
      tpu.vector_store_idx %arg12[%parallel_loop3A_46], %parallel_loop3A_39 : memref<1024xf32, #tpu.memory_space<vmem>>[vector<16xi32>], vector<16xf32>,
    } {sc.loop_unroll_factor = 1 : i64, sc.parallel_access}
    %mul3A_14 = arith.constant 2 : i32
    %mul3A_15 = arith.muli %mul3A_2, %mul3A_14 : i32
    "tpu.region"() ({
      %run_scoped3A = tpu.sem_alloc : memref<!tpu.dma_semaphore, #tpu.memory_space<semaphore_mem>>
      %dma_start3A_23 = tpu.memref_slice %arg6[%mul3A_15] : memref<32768xf32, #tpu.memory_space<hbm>> -> memref<1024xf32, #tpu.memory_space<hbm>>
      %dma_start3A_24 = tpu.memref_slice %arg6[%mul3A_15] : memref<32768xf32, #tpu.memory_space<hbm>> -> memref<1024xf32, #tpu.memory_space<hbm>>
      tpu.enqueue_dma source(%arg12 : memref<1024xf32, #tpu.memory_space<vmem>>) target(%dma_start3A_24 : memref<1024xf32, #tpu.memory_space<hbm>>) target_semaphore(%run_scoped3A : memref<!tpu.dma_semaphore, #tpu.memory_space<semaphore_mem>>)
      %dma_wait3A_25 = tpu.memref_slice %arg6[%mul3A_15] : memref<32768xf32, #tpu.memory_space<hbm>> -> memref<1024xf32, #tpu.memory_space<hbm>>
      %dma_wait3A_26 = tpu.memref_slice %arg6[%mul3A_15] : memref<32768xf32, #tpu.memory_space<hbm>> -> memref<1024xf32, #tpu.memory_space<hbm>>
      tpu.wait_dma2 semaphore(%run_scoped3A : memref<!tpu.dma_semaphore, #tpu.memory_space<semaphore_mem>>) src(%arg12 : memref<1024xf32, #tpu.memory_space<vmem>>) dst(%dma_wait3A_26 : memref<1024xf32, #tpu.memory_space<hbm>>)
      tpu.yield
    }) : () -> ()
    %dma_wait3A = tpu.memref_slice %arg3[%mul3A_4] : memref<819200xi32, #tpu.memory_space<hbm>> -> memref<25600xi32, #tpu.memory_space<hbm>>
    %dma_wait3A_16 = tpu.memref_slice %arg3[%mul3A_4] : memref<819200xi32, #tpu.memory_space<hbm>> -> memref<25600xi32, #tpu.memory_space<hbm>>
    tpu.wait_dma2 semaphore(%arg14 : memref<!tpu.dma_semaphore, #tpu.memory_space<semaphore_mem>>) src(%dma_wait3A_16 : memref<25600xi32, #tpu.memory_space<hbm>>) dst(%arg9 : memref<25600xi32, #tpu.memory_space<vmem>>)
    %broadcast_in_dim3A = arith.constant 0.000000e+00 : f32
    %broadcast_in_dim3A_17 = vector.broadcast %broadcast_in_dim3A : f32 to vector<16xf32>
    %parallel_loop3A_18 = arith.constant 0 : i32
    %parallel_loop3A_19 = arith.constant 32 : i32
    %parallel_loop3A_20 = arith.constant 1 : i32
    scf.for %parallel_loop3A_23 = %parallel_loop3A_18 to %parallel_loop3A_19 step %parallel_loop3A_20  : i32 {
      %parallel_loop3A_24 = arith.constant 800 : i32
      %parallel_loop3A_25 = arith.muli %parallel_loop3A_23, %parallel_loop3A_24 : i32
      %parallel_loop3A_26 = vector.broadcast %parallel_loop3A_25 : i32 to vector<16xi32>
      %parallel_loop3A_27 = arith.addi %mul3A_8, %parallel_loop3A_26 : vector<16xi32>
      %parallel_loop3A_28 = arith.constant 0 : i32
      %parallel_loop3A_29 = vector.broadcast %parallel_loop3A_28 : i32 to vector<16xi32>
      %parallel_loop3A_30 = arith.addi %parallel_loop3A_27, %parallel_loop3A_29 : vector<16xi32>
      %parallel_loop3A_31 = tpu.vector_load_idx %arg9[%parallel_loop3A_30] : memref<25600xi32, #tpu.memory_space<vmem>>[vector<16xi32>], vector<16xi32>,
      %parallel_loop3A_32 = arith.addi %parallel_loop3A_31, %parallel_loop3A_31 : vector<16xi32>
      %parallel_loop3A_33 = tpu.vector_load_idx %arg11[%parallel_loop3A_32] : memref<200xf32, #tpu.memory_space<vmem>>[vector<16xi32>], vector<16xf32>,
      %parallel_loop3A_34 = arith.addf %broadcast_in_dim3A_17, %parallel_loop3A_33 : vector<16xf32>
      %parallel_loop3A_35 = arith.constant 1 : i32
      %parallel_loop3A_36 = vector.broadcast %parallel_loop3A_35 : i32 to vector<16xi32>
      %parallel_loop3A_37 = arith.addi %parallel_loop3A_32, %parallel_loop3A_36 : vector<16xi32>
      %parallel_loop3A_38 = tpu.vector_load_idx %arg11[%parallel_loop3A_37] : memref<200xf32, #tpu.memory_space<vmem>>[vector<16xi32>], vector<16xf32>,
      %parallel_loop3A_39 = arith.addf %broadcast_in_dim3A_17, %parallel_loop3A_38 : vector<16xf32>
      %parallel_loop3A_40 = arith.constant 1 : i32
      %parallel_loop3A_41 = vector.broadcast %parallel_loop3A_40 : i32 to vector<16xi32>
      %parallel_loop3A_42 = arith.addi %parallel_loop3A_27, %parallel_loop3A_41 : vector<16xi32>
      %parallel_loop3A_43 = tpu.vector_load_idx %arg9[%parallel_loop3A_42] : memref<25600xi32, #tpu.memory_space<vmem>>[vector<16xi32>], vector<16xi32>,
      %parallel_loop3A_44 = arith.addi %parallel_loop3A_43, %parallel_loop3A_43 : vector<16xi32>
      %parallel_loop3A_45 = tpu.vector_load_idx %arg11[%parallel_loop3A_44] : memref<200xf32, #tpu.memory_space<vmem>>[vector<16xi32>], vector<16xf32>,
      %parallel_loop3A_46 = arith.addf %broadcast_in_dim3A_17, %parallel_loop3A_45 : vector<16xf32>
      %parallel_loop3A_47 = arith.constant 1 : i32
      %parallel_loop3A_48 = vector.broadcast %parallel_loop3A_47 : i32 to vector<16xi32>
      %parallel_loop3A_49 = arith.addi %parallel_loop3A_44, %parallel_loop3A_48 : vector<16xi32>
      %parallel_loop3A_50 = tpu.vector_load_idx %arg11[%parallel_loop3A_49] : memref<200xf32, #tpu.memory_space<vmem>>[vector<16xi32>], vector<16xf32>,
      %parallel_loop3A_51 = arith.addf %broadcast_in_dim3A_17, %parallel_loop3A_50 : vector<16xf32>
      %parallel_loop3A_52 = arith.constant 2 : i32
      %parallel_loop3A_53 = vector.broadcast %parallel_loop3A_52 : i32 to vector<16xi32>
      %parallel_loop3A_54 = arith.addi %parallel_loop3A_27, %parallel_loop3A_53 : vector<16xi32>
      %parallel_loop3A_55 = tpu.vector_load_idx %arg9[%parallel_loop3A_54] : memref<25600xi32, #tpu.memory_space<vmem>>[vector<16xi32>], vector<16xi32>,
      %parallel_loop3A_56 = arith.addi %parallel_loop3A_55, %parallel_loop3A_55 : vector<16xi32>
      %parallel_loop3A_57 = tpu.vector_load_idx %arg11[%parallel_loop3A_56] : memref<200xf32, #tpu.memory_space<vmem>>[vector<16xi32>], vector<16xf32>,
      %parallel_loop3A_58 = arith.addf %broadcast_in_dim3A_17, %parallel_loop3A_57 : vector<16xf32>
      %parallel_loop3A_59 = arith.constant 1 : i32
      %parallel_loop3A_60 = vector.broadcast %parallel_loop3A_59 : i32 to vector<16xi32>
      %parallel_loop3A_61 = arith.addi %parallel_loop3A_56, %parallel_loop3A_60 : vector<16xi32>
      %parallel_loop3A_62 = tpu.vector_load_idx %arg11[%parallel_loop3A_61] : memref<200xf32, #tpu.memory_space<vmem>>[vector<16xi32>], vector<16xf32>,
      %parallel_loop3A_63 = arith.addf %broadcast_in_dim3A_17, %parallel_loop3A_62 : vector<16xf32>
      %parallel_loop3A_64 = arith.constant 3 : i32
      %parallel_loop3A_65 = vector.broadcast %parallel_loop3A_64 : i32 to vector<16xi32>
      %parallel_loop3A_66 = arith.addi %parallel_loop3A_27, %parallel_loop3A_65 : vector<16xi32>
      %parallel_loop3A_67 = tpu.vector_load_idx %arg9[%parallel_loop3A_66] : memref<25600xi32, #tpu.memory_space<vmem>>[vector<16xi32>], vector<16xi32>,
      %parallel_loop3A_68 = arith.addi %parallel_loop3A_67, %parallel_loop3A_67 : vector<16xi32>
      %parallel_loop3A_69 = tpu.vector_load_idx %arg11[%parallel_loop3A_68] : memref<200xf32, #tpu.memory_space<vmem>>[vector<16xi32>], vector<16xf32>,
      %parallel_loop3A_70 = arith.addf %broadcast_in_dim3A_17, %parallel_loop3A_69 : vector<16xf32>
      %parallel_loop3A_71 = arith.constant 1 : i32
      %parallel_loop3A_72 = vector.broadcast %parallel_loop3A_71 : i32 to vector<16xi32>
      %parallel_loop3A_73 = arith.addi %parallel_loop3A_68, %parallel_loop3A_72 : vector<16xi32>
      %parallel_loop3A_74 = tpu.vector_load_idx %arg11[%parallel_loop3A_73] : memref<200xf32, #tpu.memory_space<vmem>>[vector<16xi32>], vector<16xf32>,
      %parallel_loop3A_75 = arith.addf %broadcast_in_dim3A_17, %parallel_loop3A_74 : vector<16xf32>
      %parallel_loop3A_76 = arith.constant 4 : i32
      %parallel_loop3A_77 = vector.broadcast %parallel_loop3A_76 : i32 to vector<16xi32>
      %parallel_loop3A_78 = arith.addi %parallel_loop3A_27, %parallel_loop3A_77 : vector<16xi32>
      %parallel_loop3A_79 = tpu.vector_load_idx %arg9[%parallel_loop3A_78] : memref<25600xi32, #tpu.memory_space<vmem>>[vector<16xi32>], vector<16xi32>,
      %parallel_loop3A_80 = arith.addi %parallel_loop3A_79, %parallel_loop3A_79 : vector<16xi32>
      %parallel_loop3A_81 = tpu.vector_load_idx %arg11[%parallel_loop3A_80] : memref<200xf32, #tpu.memory_space<vmem>>[vector<16xi32>], vector<16xf32>,
      %parallel_loop3A_82 = arith.addf %parallel_loop3A_34, %parallel_loop3A_81 : vector<16xf32>
      %parallel_loop3A_83 = arith.constant 1 : i32
      %parallel_loop3A_84 = vector.broadcast %parallel_loop3A_83 : i32 to vector<16xi32>
      %parallel_loop3A_85 = arith.addi %parallel_loop3A_80, %parallel_loop3A_84 : vector<16xi32>
      %parallel_loop3A_86 = tpu.vector_load_idx %arg11[%parallel_loop3A_85] : memref<200xf32, #tpu.memory_space<vmem>>[vector<16xi32>], vector<16xf32>,
      %parallel_loop3A_87 = arith.addf %parallel_loop3A_39, %parallel_loop3A_86 : vector<16xf32>
      %parallel_loop3A_88 = arith.constant 5 : i32
      %parallel_loop3A_89 = vector.broadcast %parallel_loop3A_88 : i32 to vector<16xi32>
      %parallel_loop3A_90 = arith.addi %parallel_loop3A_27, %parallel_loop3A_89 : vector<16xi32>
      %parallel_loop3A_91 = tpu.vector_load_idx %arg9[%parallel_loop3A_90] : memref<25600xi32, #tpu.memory_space<vmem>>[vector<16xi32>], vector<16xi32>,
      %parallel_loop3A_92 = arith.addi %parallel_loop3A_91, %parallel_loop3A_91 : vector<16xi32>
      %parallel_loop3A_93 = tpu.vector_load_idx %arg11[%parallel_loop3A_92] : memref<200xf32, #tpu.memory_space<vmem>>[vector<16xi32>], vector<16xf32>,
      %parallel_loop3A_94 = arith.addf %parallel_loop3A_46, %parallel_loop3A_93 : vector<16xf32>
      %parallel_loop3A_95 = arith.constant 1 : i32
      %parallel_loop3A_96 = vector.broadcast %parallel_loop3A_95 : i32 to vector<16xi32>
      %parallel_loop3A_97 = arith.addi %parallel_loop3A_92, %parallel_loop3A_96 : vector<16xi32>
      %parallel_loop3A_98 = tpu.vector_load_idx %arg11[%parallel_loop3A_97] : memref<200xf32, #tpu.memory_space<vmem>>[vector<16xi32>], vector<16xf32>,
      %parallel_loop3A_99 = arith.addf %parallel_loop3A_51, %parallel_loop3A_98 : vector<16xf32>
      %parallel_loop3A_100 = arith.constant 6 : i32
      %parallel_loop3A_101 = vector.broadcast %parallel_loop3A_100 : i32 to vector<16xi32>
      %parallel_loop3A_102 = arith.addi %parallel_loop3A_27, %parallel_loop3A_101 : vector<16xi32>
      %parallel_loop3A_103 = tpu.vector_load_idx %arg9[%parallel_loop3A_102] : memref<25600xi32, #tpu.memory_space<vmem>>[vector<16xi32>], vector<16xi32>,
      %parallel_loop3A_104 = arith.addi %parallel_loop3A_103, %parallel_loop3A_103 : vector<16xi32>
      %parallel_loop3A_105 = tpu.vector_load_idx %arg11[%parallel_loop3A_104] : memref<200xf32, #tpu.memory_space<vmem>>[vector<16xi32>], vector<16xf32>,
      %parallel_loop3A_106 = arith.addf %parallel_loop3A_58, %parallel_loop3A_105 : vector<16xf32>
      %parallel_loop3A_107 = arith.constant 1 : i32
      %parallel_loop3A_108 = vector.broadcast %parallel_loop3A_107 : i32 to vector<16xi32>
      %parallel_loop3A_109 = arith.addi %parallel_loop3A_104, %parallel_loop3A_108 : vector<16xi32>
      %parallel_loop3A_110 = tpu.vector_load_idx %arg11[%parallel_loop3A_109] : memref<200xf32, #tpu.memory_space<vmem>>[vector<16xi32>], vector<16xf32>,
      %parallel_loop3A_111 = arith.addf %parallel_loop3A_63, %parallel_loop3A_110 : vector<16xf32>
      %parallel_loop3A_112 = arith.constant 7 : i32
      %parallel_loop3A_113 = vector.broadcast %parallel_loop3A_112 : i32 to vector<16xi32>
      %parallel_loop3A_114 = arith.addi %parallel_loop3A_27, %parallel_loop3A_113 : vector<16xi32>
      %parallel_loop3A_115 = tpu.vector_load_idx %arg9[%parallel_loop3A_114] : memref<25600xi32, #tpu.memory_space<vmem>>[vector<16xi32>], vector<16xi32>,
      %parallel_loop3A_116 = arith.addi %parallel_loop3A_115, %parallel_loop3A_115 : vector<16xi32>
      %parallel_loop3A_117 = tpu.vector_load_idx %arg11[%parallel_loop3A_116] : memref<200xf32, #tpu.memory_space<vmem>>[vector<16xi32>], vector<16xf32>,
      %parallel_loop3A_118 = arith.addf %parallel_loop3A_70, %parallel_loop3A_117 : vector<16xf32>
      %parallel_loop3A_119 = arith.constant 1 : i32
      %parallel_loop3A_120 = vector.broadcast %parallel_loop3A_119 : i32 to vector<16xi32>
      %parallel_loop3A_121 = arith.addi %parallel_loop3A_116, %parallel_loop3A_120 : vector<16xi32>
      %parallel_loop3A_122 = tpu.vector_load_idx %arg11[%parallel_loop3A_121] : memref<200xf32, #tpu.memory_space<vmem>>[vector<16xi32>], vector<16xf32>,
      %parallel_loop3A_123 = arith.addf %parallel_loop3A_75, %parallel_loop3A_122 : vector<16xf32>
      %parallel_loop3A_124 = arith.constant 8 : i32
      %parallel_loop3A_125 = vector.broadcast %parallel_loop3A_124 : i32 to vector<16xi32>
      %parallel_loop3A_126 = arith.addi %parallel_loop3A_27, %parallel_loop3A_125 : vector<16xi32>
      %parallel_loop3A_127 = tpu.vector_load_idx %arg9[%parallel_loop3A_126] : memref<25600xi32, #tpu.memory_space<vmem>>[vector<16xi32>], vector<16xi32>,
      %parallel_loop3A_128 = arith.addi %parallel_loop3A_127, %parallel_loop3A_127 : vector<16xi32>
      %parallel_loop3A_129 = tpu.vector_load_idx %arg11[%parallel_loop3A_128] : memref<200xf32, #tpu.memory_space<vmem>>[vector<16xi32>], vector<16xf32>,
      %parallel_loop3A_130 = arith.addf %parallel_loop3A_82, %parallel_loop3A_129 : vector<16xf32>
      %parallel_loop3A_131 = arith.constant 1 : i32
      %parallel_loop3A_132 = vector.broadcast %parallel_loop3A_131 : i32 to vector<16xi32>
      %parallel_loop3A_133 = arith.addi %parallel_loop3A_128, %parallel_loop3A_132 : vector<16xi32>
      %parallel_loop3A_134 = tpu.vector_load_idx %arg11[%parallel_loop3A_133] : memref<200xf32, #tpu.memory_space<vmem>>[vector<16xi32>], vector<16xf32>,
      %parallel_loop3A_135 = arith.addf %parallel_loop3A_87, %parallel_loop3A_134 : vector<16xf32>
      %parallel_loop3A_136 = arith.constant 9 : i32
      %parallel_loop3A_137 = vector.broadcast %parallel_loop3A_136 : i32 to vector<16xi32>
      %parallel_loop3A_138 = arith.addi %parallel_loop3A_27, %parallel_loop3A_137 : vector<16xi32>
      %parallel_loop3A_139 = tpu.vector_load_idx %arg9[%parallel_loop3A_138] : memref<25600xi32, #tpu.memory_space<vmem>>[vector<16xi32>], vector<16xi32>,
      %parallel_loop3A_140 = arith.addi %parallel_loop3A_139, %parallel_loop3A_139 : vector<16xi32>
      %parallel_loop3A_141 = tpu.vector_load_idx %arg11[%parallel_loop3A_140] : memref<200xf32, #tpu.memory_space<vmem>>[vector<16xi32>], vector<16xf32>,
      %parallel_loop3A_142 = arith.addf %parallel_loop3A_94, %parallel_loop3A_141 : vector<16xf32>
      %parallel_loop3A_143 = arith.constant 1 : i32
      %parallel_loop3A_144 = vector.broadcast %parallel_loop3A_143 : i32 to vector<16xi32>
      %parallel_loop3A_145 = arith.addi %parallel_loop3A_140, %parallel_loop3A_144 : vector<16xi32>
      %parallel_loop3A_146 = tpu.vector_load_idx %arg11[%parallel_loop3A_145] : memref<200xf32, #tpu.memory_space<vmem>>[vector<16xi32>], vector<16xf32>,
      %parallel_loop3A_147 = arith.addf %parallel_loop3A_99, %parallel_loop3A_146 : vector<16xf32>
      %parallel_loop3A_148 = arith.constant 10 : i32
      %parallel_loop3A_149 = vector.broadcast %parallel_loop3A_148 : i32 to vector<16xi32>
      %parallel_loop3A_150 = arith.addi %parallel_loop3A_27, %parallel_loop3A_149 : vector<16xi32>
      %parallel_loop3A_151 = tpu.vector_load_idx %arg9[%parallel_loop3A_150] : memref<25600xi32, #tpu.memory_space<vmem>>[vector<16xi32>], vector<16xi32>,
      %parallel_loop3A_152 = arith.addi %parallel_loop3A_151, %parallel_loop3A_151 : vector<16xi32>
      %parallel_loop3A_153 = tpu.vector_load_idx %arg11[%parallel_loop3A_152] : memref<200xf32, #tpu.memory_space<vmem>>[vector<16xi32>], vector<16xf32>,
      %parallel_loop3A_154 = arith.addf %parallel_loop3A_106, %parallel_loop3A_153 : vector<16xf32>
      %parallel_loop3A_155 = arith.constant 1 : i32
      %parallel_loop3A_156 = vector.broadcast %parallel_loop3A_155 : i32 to vector<16xi32>
      %parallel_loop3A_157 = arith.addi %parallel_loop3A_152, %parallel_loop3A_156 : vector<16xi32>
      %parallel_loop3A_158 = tpu.vector_load_idx %arg11[%parallel_loop3A_157] : memref<200xf32, #tpu.memory_space<vmem>>[vector<16xi32>], vector<16xf32>,
      %parallel_loop3A_159 = arith.addf %parallel_loop3A_111, %parallel_loop3A_158 : vector<16xf32>
      %parallel_loop3A_160 = arith.constant 11 : i32
      %parallel_loop3A_161 = vector.broadcast %parallel_loop3A_160 : i32 to vector<16xi32>
      %parallel_loop3A_162 = arith.addi %parallel_loop3A_27, %parallel_loop3A_161 : vector<16xi32>
      %parallel_loop3A_163 = tpu.vector_load_idx %arg9[%parallel_loop3A_162] : memref<25600xi32, #tpu.memory_space<vmem>>[vector<16xi32>], vector<16xi32>,
      %parallel_loop3A_164 = arith.addi %parallel_loop3A_163, %parallel_loop3A_163 : vector<16xi32>
      %parallel_loop3A_165 = tpu.vector_load_idx %arg11[%parallel_loop3A_164] : memref<200xf32, #tpu.memory_space<vmem>>[vector<16xi32>], vector<16xf32>,
      %parallel_loop3A_166 = arith.addf %parallel_loop3A_118, %parallel_loop3A_165 : vector<16xf32>
      %parallel_loop3A_167 = arith.constant 1 : i32
      %parallel_loop3A_168 = vector.broadcast %parallel_loop3A_167 : i32 to vector<16xi32>
      %parallel_loop3A_169 = arith.addi %parallel_loop3A_164, %parallel_loop3A_168 : vector<16xi32>
      %parallel_loop3A_170 = tpu.vector_load_idx %arg11[%parallel_loop3A_169] : memref<200xf32, #tpu.memory_space<vmem>>[vector<16xi32>], vector<16xf32>,
      %parallel_loop3A_171 = arith.addf %parallel_loop3A_123, %parallel_loop3A_170 : vector<16xf32>
      %parallel_loop3A_172 = arith.constant 12 : i32
      %parallel_loop3A_173 = vector.broadcast %parallel_loop3A_172 : i32 to vector<16xi32>
      %parallel_loop3A_174 = arith.addi %parallel_loop3A_27, %parallel_loop3A_173 : vector<16xi32>
      %parallel_loop3A_175 = tpu.vector_load_idx %arg9[%parallel_loop3A_174] : memref<25600xi32, #tpu.memory_space<vmem>>[vector<16xi32>], vector<16xi32>,
      %parallel_loop3A_176 = arith.addi %parallel_loop3A_175, %parallel_loop3A_175 : vector<16xi32>
      %parallel_loop3A_177 = tpu.vector_load_idx %arg11[%parallel_loop3A_176] : memref<200xf32, #tpu.memory_space<vmem>>[vector<16xi32>], vector<16xf32>,
      %parallel_loop3A_178 = arith.addf %parallel_loop3A_130, %parallel_loop3A_177 : vector<16xf32>
      %parallel_loop3A_179 = arith.constant 1 : i32
      %parallel_loop3A_180 = vector.broadcast %parallel_loop3A_179 : i32 to vector<16xi32>
      %parallel_loop3A_181 = arith.addi %parallel_loop3A_176, %parallel_loop3A_180 : vector<16xi32>
      %parallel_loop3A_182 = tpu.vector_load_idx %arg11[%parallel_loop3A_181] : memref<200xf32, #tpu.memory_space<vmem>>[vector<16xi32>], vector<16xf32>,
      %parallel_loop3A_183 = arith.addf %parallel_loop3A_135, %parallel_loop3A_182 : vector<16xf32>
      %parallel_loop3A_184 = arith.constant 13 : i32
      %parallel_loop3A_185 = vector.broadcast %parallel_loop3A_184 : i32 to vector<16xi32>
      %parallel_loop3A_186 = arith.addi %parallel_loop3A_27, %parallel_loop3A_185 : vector<16xi32>
      %parallel_loop3A_187 = tpu.vector_load_idx %arg9[%parallel_loop3A_186] : memref<25600xi32, #tpu.memory_space<vmem>>[vector<16xi32>], vector<16xi32>,
      %parallel_loop3A_188 = arith.addi %parallel_loop3A_187, %parallel_loop3A_187 : vector<16xi32>
      %parallel_loop3A_189 = tpu.vector_load_idx %arg11[%parallel_loop3A_188] : memref<200xf32, #tpu.memory_space<vmem>>[vector<16xi32>], vector<16xf32>,
      %parallel_loop3A_190 = arith.addf %parallel_loop3A_142, %parallel_loop3A_189 : vector<16xf32>
      %parallel_loop3A_191 = arith.constant 1 : i32
      %parallel_loop3A_192 = vector.broadcast %parallel_loop3A_191 : i32 to vector<16xi32>
      %parallel_loop3A_193 = arith.addi %parallel_loop3A_188, %parallel_loop3A_192 : vector<16xi32>
      %parallel_loop3A_194 = tpu.vector_load_idx %arg11[%parallel_loop3A_193] : memref<200xf32, #tpu.memory_space<vmem>>[vector<16xi32>], vector<16xf32>,
      %parallel_loop3A_195 = arith.addf %parallel_loop3A_147, %parallel_loop3A_194 : vector<16xf32>
      %parallel_loop3A_196 = arith.constant 14 : i32
      %parallel_loop3A_197 = vector.broadcast %parallel_loop3A_196 : i32 to vector<16xi32>
      %parallel_loop3A_198 = arith.addi %parallel_loop3A_27, %parallel_loop3A_197 : vector<16xi32>
      %parallel_loop3A_199 = tpu.vector_load_idx %arg9[%parallel_loop3A_198] : memref<25600xi32, #tpu.memory_space<vmem>>[vector<16xi32>], vector<16xi32>,
      %parallel_loop3A_200 = arith.addi %parallel_loop3A_199, %parallel_loop3A_199 : vector<16xi32>
      %parallel_loop3A_201 = tpu.vector_load_idx %arg11[%parallel_loop3A_200] : memref<200xf32, #tpu.memory_space<vmem>>[vector<16xi32>], vector<16xf32>,
      %parallel_loop3A_202 = arith.addf %parallel_loop3A_154, %parallel_loop3A_201 : vector<16xf32>
      %parallel_loop3A_203 = arith.constant 1 : i32
      %parallel_loop3A_204 = vector.broadcast %parallel_loop3A_203 : i32 to vector<16xi32>
      %parallel_loop3A_205 = arith.addi %parallel_loop3A_200, %parallel_loop3A_204 : vector<16xi32>
      %parallel_loop3A_206 = tpu.vector_load_idx %arg11[%parallel_loop3A_205] : memref<200xf32, #tpu.memory_space<vmem>>[vector<16xi32>], vector<16xf32>,
      %parallel_loop3A_207 = arith.addf %parallel_loop3A_159, %parallel_loop3A_206 : vector<16xf32>
      %parallel_loop3A_208 = arith.constant 15 : i32
      %parallel_loop3A_209 = vector.broadcast %parallel_loop3A_208 : i32 to vector<16xi32>
      %parallel_loop3A_210 = arith.addi %parallel_loop3A_27, %parallel_loop3A_209 : vector<16xi32>
      %parallel_loop3A_211 = tpu.vector_load_idx %arg9[%parallel_loop3A_210] : memref<25600xi32, #tpu.memory_space<vmem>>[vector<16xi32>], vector<16xi32>,
      %parallel_loop3A_212 = arith.addi %parallel_loop3A_211, %parallel_loop3A_211 : vector<16xi32>
      %parallel_loop3A_213 = tpu.vector_load_idx %arg11[%parallel_loop3A_212] : memref<200xf32, #tpu.memory_space<vmem>>[vector<16xi32>], vector<16xf32>,
      %parallel_loop3A_214 = arith.addf %parallel_loop3A_166, %parallel_loop3A_213 : vector<16xf32>
      %parallel_loop3A_215 = arith.constant 1 : i32
      %parallel_loop3A_216 = vector.broadcast %parallel_loop3A_215 : i32 to vector<16xi32>
      %parallel_loop3A_217 = arith.addi %parallel_loop3A_212, %parallel_loop3A_216 : vector<16xi32>
      %parallel_loop3A_218 = tpu.vector_load_idx %arg11[%parallel_loop3A_217] : memref<200xf32, #tpu.memory_space<vmem>>[vector<16xi32>], vector<16xf32>,
      %parallel_loop3A_219 = arith.addf %parallel_loop3A_171, %parallel_loop3A_218 : vector<16xf32>
      %parallel_loop3A_220 = arith.constant 16 : i32
      %parallel_loop3A_221 = vector.broadcast %parallel_loop3A_220 : i32 to vector<16xi32>
      %parallel_loop3A_222 = arith.addi %parallel_loop3A_27, %parallel_loop3A_221 : vector<16xi32>
      %parallel_loop3A_223 = tpu.vector_load_idx %arg9[%parallel_loop3A_222] : memref<25600xi32, #tpu.memory_space<vmem>>[vector<16xi32>], vector<16xi32>,
      %parallel_loop3A_224 = arith.addi %parallel_loop3A_223, %parallel_loop3A_223 : vector<16xi32>
      %parallel_loop3A_225 = tpu.vector_load_idx %arg11[%parallel_loop3A_224] : memref<200xf32, #tpu.memory_space<vmem>>[vector<16xi32>], vector<16xf32>,
      %parallel_loop3A_226 = arith.addf %parallel_loop3A_178, %parallel_loop3A_225 : vector<16xf32>
      %parallel_loop3A_227 = arith.constant 1 : i32
      %parallel_loop3A_228 = vector.broadcast %parallel_loop3A_227 : i32 to vector<16xi32>
      %parallel_loop3A_229 = arith.addi %parallel_loop3A_224, %parallel_loop3A_228 : vector<16xi32>
      %parallel_loop3A_230 = tpu.vector_load_idx %arg11[%parallel_loop3A_229] : memref<200xf32, #tpu.memory_space<vmem>>[vector<16xi32>], vector<16xf32>,
      %parallel_loop3A_231 = arith.addf %parallel_loop3A_183, %parallel_loop3A_230 : vector<16xf32>
      %parallel_loop3A_232 = arith.constant 17 : i32
      %parallel_loop3A_233 = vector.broadcast %parallel_loop3A_232 : i32 to vector<16xi32>
      %parallel_loop3A_234 = arith.addi %parallel_loop3A_27, %parallel_loop3A_233 : vector<16xi32>
      %parallel_loop3A_235 = tpu.vector_load_idx %arg9[%parallel_loop3A_234] : memref<25600xi32, #tpu.memory_space<vmem>>[vector<16xi32>], vector<16xi32>,
      %parallel_loop3A_236 = arith.addi %parallel_loop3A_235, %parallel_loop3A_235 : vector<16xi32>
      %parallel_loop3A_237 = tpu.vector_load_idx %arg11[%parallel_loop3A_236] : memref<200xf32, #tpu.memory_space<vmem>>[vector<16xi32>], vector<16xf32>,
      %parallel_loop3A_238 = arith.addf %parallel_loop3A_190, %parallel_loop3A_237 : vector<16xf32>
      %parallel_loop3A_239 = arith.constant 1 : i32
      %parallel_loop3A_240 = vector.broadcast %parallel_loop3A_239 : i32 to vector<16xi32>
      %parallel_loop3A_241 = arith.addi %parallel_loop3A_236, %parallel_loop3A_240 : vector<16xi32>
      %parallel_loop3A_242 = tpu.vector_load_idx %arg11[%parallel_loop3A_241] : memref<200xf32, #tpu.memory_space<vmem>>[vector<16xi32>], vector<16xf32>,
      %parallel_loop3A_243 = arith.addf %parallel_loop3A_195, %parallel_loop3A_242 : vector<16xf32>
      %parallel_loop3A_244 = arith.constant 18 : i32
      %parallel_loop3A_245 = vector.broadcast %parallel_loop3A_244 : i32 to vector<16xi32>
      %parallel_loop3A_246 = arith.addi %parallel_loop3A_27, %parallel_loop3A_245 : vector<16xi32>
      %parallel_loop3A_247 = tpu.vector_load_idx %arg9[%parallel_loop3A_246] : memref<25600xi32, #tpu.memory_space<vmem>>[vector<16xi32>], vector<16xi32>,
      %parallel_loop3A_248 = arith.addi %parallel_loop3A_247, %parallel_loop3A_247 : vector<16xi32>
      %parallel_loop3A_249 = tpu.vector_load_idx %arg11[%parallel_loop3A_248] : memref<200xf32, #tpu.memory_space<vmem>>[vector<16xi32>], vector<16xf32>,
      %parallel_loop3A_250 = arith.addf %parallel_loop3A_202, %parallel_loop3A_249 : vector<16xf32>
      %parallel_loop3A_251 = arith.constant 1 : i32
      %parallel_loop3A_252 = vector.broadcast %parallel_loop3A_251 : i32 to vector<16xi32>
      %parallel_loop3A_253 = arith.addi %parallel_loop3A_248, %parallel_loop3A_252 : vector<16xi32>
      %parallel_loop3A_254 = tpu.vector_load_idx %arg11[%parallel_loop3A_253] : memref<200xf32, #tpu.memory_space<vmem>>[vector<16xi32>], vector<16xf32>,
      %parallel_loop3A_255 = arith.addf %parallel_loop3A_207, %parallel_loop3A_254 : vector<16xf32>
      %parallel_loop3A_256 = arith.constant 19 : i32
      %parallel_loop3A_257 = vector.broadcast %parallel_loop3A_256 : i32 to vector<16xi32>
      %parallel_loop3A_258 = arith.addi %parallel_loop3A_27, %parallel_loop3A_257 : vector<16xi32>
      %parallel_loop3A_259 = tpu.vector_load_idx %arg9[%parallel_loop3A_258] : memref<25600xi32, #tpu.memory_space<vmem>>[vector<16xi32>], vector<16xi32>,
      %parallel_loop3A_260 = arith.addi %parallel_loop3A_259, %parallel_loop3A_259 : vector<16xi32>
      %parallel_loop3A_261 = tpu.vector_load_idx %arg11[%parallel_loop3A_260] : memref<200xf32, #tpu.memory_space<vmem>>[vector<16xi32>], vector<16xf32>,
      %parallel_loop3A_262 = arith.addf %parallel_loop3A_214, %parallel_loop3A_261 : vector<16xf32>
      %parallel_loop3A_263 = arith.constant 1 : i32
      %parallel_loop3A_264 = vector.broadcast %parallel_loop3A_263 : i32 to vector<16xi32>
      %parallel_loop3A_265 = arith.addi %parallel_loop3A_260, %parallel_loop3A_264 : vector<16xi32>
      %parallel_loop3A_266 = tpu.vector_load_idx %arg11[%parallel_loop3A_265] : memref<200xf32, #tpu.memory_space<vmem>>[vector<16xi32>], vector<16xf32>,
      %parallel_loop3A_267 = arith.addf %parallel_loop3A_219, %parallel_loop3A_266 : vector<16xf32>
      %parallel_loop3A_268 = arith.constant 20 : i32
      %parallel_loop3A_269 = vector.broadcast %parallel_loop3A_268 : i32 to vector<16xi32>
      %parallel_loop3A_270 = arith.addi %parallel_loop3A_27, %parallel_loop3A_269 : vector<16xi32>
      %parallel_loop3A_271 = tpu.vector_load_idx %arg9[%parallel_loop3A_270] : memref<25600xi32, #tpu.memory_space<vmem>>[vector<16xi32>], vector<16xi32>,
      %parallel_loop3A_272 = arith.addi %parallel_loop3A_271, %parallel_loop3A_271 : vector<16xi32>
      %parallel_loop3A_273 = tpu.vector_load_idx %arg11[%parallel_loop3A_272] : memref<200xf32, #tpu.memory_space<vmem>>[vector<16xi32>], vector<16xf32>,
      %parallel_loop3A_274 = arith.addf %parallel_loop3A_226, %parallel_loop3A_273 : vector<16xf32>
      %parallel_loop3A_275 = arith.constant 1 : i32
      %parallel_loop3A_276 = vector.broadcast %parallel_loop3A_275 : i32 to vector<16xi32>
      %parallel_loop3A_277 = arith.addi %parallel_loop3A_272, %parallel_loop3A_276 : vector<16xi32>
      %parallel_loop3A_278 = tpu.vector_load_idx %arg11[%parallel_loop3A_277] : memref<200xf32, #tpu.memory_space<vmem>>[vector<16xi32>], vector<16xf32>,
      %parallel_loop3A_279 = arith.addf %parallel_loop3A_231, %parallel_loop3A_278 : vector<16xf32>
      %parallel_loop3A_280 = arith.constant 21 : i32
      %parallel_loop3A_281 = vector.broadcast %parallel_loop3A_280 : i32 to vector<16xi32>
      %parallel_loop3A_282 = arith.addi %parallel_loop3A_27, %parallel_loop3A_281 : vector<16xi32>
      %parallel_loop3A_283 = tpu.vector_load_idx %arg9[%parallel_loop3A_282] : memref<25600xi32, #tpu.memory_space<vmem>>[vector<16xi32>], vector<16xi32>,
      %parallel_loop3A_284 = arith.addi %parallel_loop3A_283, %parallel_loop3A_283 : vector<16xi32>
      %parallel_loop3A_285 = tpu.vector_load_idx %arg11[%parallel_loop3A_284] : memref<200xf32, #tpu.memory_space<vmem>>[vector<16xi32>], vector<16xf32>,
      %parallel_loop3A_286 = arith.addf %parallel_loop3A_238, %parallel_loop3A_285 : vector<16xf32>
      %parallel_loop3A_287 = arith.constant 1 : i32
      %parallel_loop3A_288 = vector.broadcast %parallel_loop3A_287 : i32 to vector<16xi32>
      %parallel_loop3A_289 = arith.addi %parallel_loop3A_284, %parallel_loop3A_288 : vector<16xi32>
      %parallel_loop3A_290 = tpu.vector_load_idx %arg11[%parallel_loop3A_289] : memref<200xf32, #tpu.memory_space<vmem>>[vector<16xi32>], vector<16xf32>,
      %parallel_loop3A_291 = arith.addf %parallel_loop3A_243, %parallel_loop3A_290 : vector<16xf32>
      %parallel_loop3A_292 = arith.constant 22 : i32
      %parallel_loop3A_293 = vector.broadcast %parallel_loop3A_292 : i32 to vector<16xi32>
      %parallel_loop3A_294 = arith.addi %parallel_loop3A_27, %parallel_loop3A_293 : vector<16xi32>
      %parallel_loop3A_295 = tpu.vector_load_idx %arg9[%parallel_loop3A_294] : memref<25600xi32, #tpu.memory_space<vmem>>[vector<16xi32>], vector<16xi32>,
      %parallel_loop3A_296 = arith.addi %parallel_loop3A_295, %parallel_loop3A_295 : vector<16xi32>
      %parallel_loop3A_297 = tpu.vector_load_idx %arg11[%parallel_loop3A_296] : memref<200xf32, #tpu.memory_space<vmem>>[vector<16xi32>], vector<16xf32>,
      %parallel_loop3A_298 = arith.addf %parallel_loop3A_250, %parallel_loop3A_297 : vector<16xf32>
      %parallel_loop3A_299 = arith.constant 1 : i32
      %parallel_loop3A_300 = vector.broadcast %parallel_loop3A_299 : i32 to vector<16xi32>
      %parallel_loop3A_301 = arith.addi %parallel_loop3A_296, %parallel_loop3A_300 : vector<16xi32>
      %parallel_loop3A_302 = tpu.vector_load_idx %arg11[%parallel_loop3A_301] : memref<200xf32, #tpu.memory_space<vmem>>[vector<16xi32>], vector<16xf32>,
      %parallel_loop3A_303 = arith.addf %parallel_loop3A_255, %parallel_loop3A_302 : vector<16xf32>
      %parallel_loop3A_304 = arith.constant 23 : i32
      %parallel_loop3A_305 = vector.broadcast %parallel_loop3A_304 : i32 to vector<16xi32>
      %parallel_loop3A_306 = arith.addi %parallel_loop3A_27, %parallel_loop3A_305 : vector<16xi32>
      %parallel_loop3A_307 = tpu.vector_load_idx %arg9[%parallel_loop3A_306] : memref<25600xi32, #tpu.memory_space<vmem>>[vector<16xi32>], vector<16xi32>,
      %parallel_loop3A_308 = arith.addi %parallel_loop3A_307, %parallel_loop3A_307 : vector<16xi32>
      %parallel_loop3A_309 = tpu.vector_load_idx %arg11[%parallel_loop3A_308] : memref<200xf32, #tpu.memory_space<vmem>>[vector<16xi32>], vector<16xf32>,
      %parallel_loop3A_310 = arith.addf %parallel_loop3A_262, %parallel_loop3A_309 : vector<16xf32>
      %parallel_loop3A_311 = arith.constant 1 : i32
      %parallel_loop3A_312 = vector.broadcast %parallel_loop3A_311 : i32 to vector<16xi32>
      %parallel_loop3A_313 = arith.addi %parallel_loop3A_308, %parallel_loop3A_312 : vector<16xi32>
      %parallel_loop3A_314 = tpu.vector_load_idx %arg11[%parallel_loop3A_313] : memref<200xf32, #tpu.memory_space<vmem>>[vector<16xi32>], vector<16xf32>,
      %parallel_loop3A_315 = arith.addf %parallel_loop3A_267, %parallel_loop3A_314 : vector<16xf32>
      %parallel_loop3A_316 = arith.constant 24 : i32
      %parallel_loop3A_317 = vector.broadcast %parallel_loop3A_316 : i32 to vector<16xi32>
      %parallel_loop3A_318 = arith.addi %parallel_loop3A_27, %parallel_loop3A_317 : vector<16xi32>
      %parallel_loop3A_319 = tpu.vector_load_idx %arg9[%parallel_loop3A_318] : memref<25600xi32, #tpu.memory_space<vmem>>[vector<16xi32>], vector<16xi32>,
      %parallel_loop3A_320 = arith.addi %parallel_loop3A_319, %parallel_loop3A_319 : vector<16xi32>
      %parallel_loop3A_321 = tpu.vector_load_idx %arg11[%parallel_loop3A_320] : memref<200xf32, #tpu.memory_space<vmem>>[vector<16xi32>], vector<16xf32>,
      %parallel_loop3A_322 = arith.addf %parallel_loop3A_274, %parallel_loop3A_321 : vector<16xf32>
      %parallel_loop3A_323 = arith.constant 1 : i32
      %parallel_loop3A_324 = vector.broadcast %parallel_loop3A_323 : i32 to vector<16xi32>
      %parallel_loop3A_325 = arith.addi %parallel_loop3A_320, %parallel_loop3A_324 : vector<16xi32>
      %parallel_loop3A_326 = tpu.vector_load_idx %arg11[%parallel_loop3A_325] : memref<200xf32, #tpu.memory_space<vmem>>[vector<16xi32>], vector<16xf32>,
      %parallel_loop3A_327 = arith.addf %parallel_loop3A_279, %parallel_loop3A_326 : vector<16xf32>
      %parallel_loop3A_328 = arith.constant 25 : i32
      %parallel_loop3A_329 = vector.broadcast %parallel_loop3A_328 : i32 to vector<16xi32>
      %parallel_loop3A_330 = arith.addi %parallel_loop3A_27, %parallel_loop3A_329 : vector<16xi32>
      %parallel_loop3A_331 = tpu.vector_load_idx %arg9[%parallel_loop3A_330] : memref<25600xi32, #tpu.memory_space<vmem>>[vector<16xi32>], vector<16xi32>,
      %parallel_loop3A_332 = arith.addi %parallel_loop3A_331, %parallel_loop3A_331 : vector<16xi32>
      %parallel_loop3A_333 = tpu.vector_load_idx %arg11[%parallel_loop3A_332] : memref<200xf32, #tpu.memory_space<vmem>>[vector<16xi32>], vector<16xf32>,
      %parallel_loop3A_334 = arith.addf %parallel_loop3A_286, %parallel_loop3A_333 : vector<16xf32>
      %parallel_loop3A_335 = arith.constant 1 : i32
      %parallel_loop3A_336 = vector.broadcast %parallel_loop3A_335 : i32 to vector<16xi32>
      %parallel_loop3A_337 = arith.addi %parallel_loop3A_332, %parallel_loop3A_336 : vector<16xi32>
      %parallel_loop3A_338 = tpu.vector_load_idx %arg11[%parallel_loop3A_337] : memref<200xf32, #tpu.memory_space<vmem>>[vector<16xi32>], vector<16xf32>,
      %parallel_loop3A_339 = arith.addf %parallel_loop3A_291, %parallel_loop3A_338 : vector<16xf32>
      %parallel_loop3A_340 = arith.constant 26 : i32
      %parallel_loop3A_341 = vector.broadcast %parallel_loop3A_340 : i32 to vector<16xi32>
      %parallel_loop3A_342 = arith.addi %parallel_loop3A_27, %parallel_loop3A_341 : vector<16xi32>
      %parallel_loop3A_343 = tpu.vector_load_idx %arg9[%parallel_loop3A_342] : memref<25600xi32, #tpu.memory_space<vmem>>[vector<16xi32>], vector<16xi32>,
      %parallel_loop3A_344 = arith.addi %parallel_loop3A_343, %parallel_loop3A_343 : vector<16xi32>
      %parallel_loop3A_345 = tpu.vector_load_idx %arg11[%parallel_loop3A_344] : memref<200xf32, #tpu.memory_space<vmem>>[vector<16xi32>], vector<16xf32>,
      %parallel_loop3A_346 = arith.addf %parallel_loop3A_298, %parallel_loop3A_345 : vector<16xf32>
      %parallel_loop3A_347 = arith.constant 1 : i32
      %parallel_loop3A_348 = vector.broadcast %parallel_loop3A_347 : i32 to vector<16xi32>
      %parallel_loop3A_349 = arith.addi %parallel_loop3A_344, %parallel_loop3A_348 : vector<16xi32>
      %parallel_loop3A_350 = tpu.vector_load_idx %arg11[%parallel_loop3A_349] : memref<200xf32, #tpu.memory_space<vmem>>[vector<16xi32>], vector<16xf32>,
      %parallel_loop3A_351 = arith.addf %parallel_loop3A_303, %parallel_loop3A_350 : vector<16xf32>
      %parallel_loop3A_352 = arith.constant 27 : i32
      %parallel_loop3A_353 = vector.broadcast %parallel_loop3A_352 : i32 to vector<16xi32>
      %parallel_loop3A_354 = arith.addi %parallel_loop3A_27, %parallel_loop3A_353 : vector<16xi32>
      %parallel_loop3A_355 = tpu.vector_load_idx %arg9[%parallel_loop3A_354] : memref<25600xi32, #tpu.memory_space<vmem>>[vector<16xi32>], vector<16xi32>,
      %parallel_loop3A_356 = arith.addi %parallel_loop3A_355, %parallel_loop3A_355 : vector<16xi32>
      %parallel_loop3A_357 = tpu.vector_load_idx %arg11[%parallel_loop3A_356] : memref<200xf32, #tpu.memory_space<vmem>>[vector<16xi32>], vector<16xf32>,
      %parallel_loop3A_358 = arith.addf %parallel_loop3A_310, %parallel_loop3A_357 : vector<16xf32>
      %parallel_loop3A_359 = arith.constant 1 : i32
      %parallel_loop3A_360 = vector.broadcast %parallel_loop3A_359 : i32 to vector<16xi32>
      %parallel_loop3A_361 = arith.addi %parallel_loop3A_356, %parallel_loop3A_360 : vector<16xi32>
      %parallel_loop3A_362 = tpu.vector_load_idx %arg11[%parallel_loop3A_361] : memref<200xf32, #tpu.memory_space<vmem>>[vector<16xi32>], vector<16xf32>,
      %parallel_loop3A_363 = arith.addf %parallel_loop3A_315, %parallel_loop3A_362 : vector<16xf32>
      %parallel_loop3A_364 = arith.constant 28 : i32
      %parallel_loop3A_365 = vector.broadcast %parallel_loop3A_364 : i32 to vector<16xi32>
      %parallel_loop3A_366 = arith.addi %parallel_loop3A_27, %parallel_loop3A_365 : vector<16xi32>
      %parallel_loop3A_367 = tpu.vector_load_idx %arg9[%parallel_loop3A_366] : memref<25600xi32, #tpu.memory_space<vmem>>[vector<16xi32>], vector<16xi32>,
      %parallel_loop3A_368 = arith.addi %parallel_loop3A_367, %parallel_loop3A_367 : vector<16xi32>
      %parallel_loop3A_369 = tpu.vector_load_idx %arg11[%parallel_loop3A_368] : memref<200xf32, #tpu.memory_space<vmem>>[vector<16xi32>], vector<16xf32>,
      %parallel_loop3A_370 = arith.addf %parallel_loop3A_322, %parallel_loop3A_369 : vector<16xf32>
      %parallel_loop3A_371 = arith.constant 1 : i32
      %parallel_loop3A_372 = vector.broadcast %parallel_loop3A_371 : i32 to vector<16xi32>
      %parallel_loop3A_373 = arith.addi %parallel_loop3A_368, %parallel_loop3A_372 : vector<16xi32>
      %parallel_loop3A_374 = tpu.vector_load_idx %arg11[%parallel_loop3A_373] : memref<200xf32, #tpu.memory_space<vmem>>[vector<16xi32>], vector<16xf32>,
      %parallel_loop3A_375 = arith.addf %parallel_loop3A_327, %parallel_loop3A_374 : vector<16xf32>
      %parallel_loop3A_376 = arith.constant 29 : i32
      %parallel_loop3A_377 = vector.broadcast %parallel_loop3A_376 : i32 to vector<16xi32>
      %parallel_loop3A_378 = arith.addi %parallel_loop3A_27, %parallel_loop3A_377 : vector<16xi32>
      %parallel_loop3A_379 = tpu.vector_load_idx %arg9[%parallel_loop3A_378] : memref<25600xi32, #tpu.memory_space<vmem>>[vector<16xi32>], vector<16xi32>,
      %parallel_loop3A_380 = arith.addi %parallel_loop3A_379, %parallel_loop3A_379 : vector<16xi32>
      %parallel_loop3A_381 = tpu.vector_load_idx %arg11[%parallel_loop3A_380] : memref<200xf32, #tpu.memory_space<vmem>>[vector<16xi32>], vector<16xf32>,
      %parallel_loop3A_382 = arith.addf %parallel_loop3A_334, %parallel_loop3A_381 : vector<16xf32>
      %parallel_loop3A_383 = arith.constant 1 : i32
      %parallel_loop3A_384 = vector.broadcast %parallel_loop3A_383 : i32 to vector<16xi32>
      %parallel_loop3A_385 = arith.addi %parallel_loop3A_380, %parallel_loop3A_384 : vector<16xi32>
      %parallel_loop3A_386 = tpu.vector_load_idx %arg11[%parallel_loop3A_385] : memref<200xf32, #tpu.memory_space<vmem>>[vector<16xi32>], vector<16xf32>,
      %parallel_loop3A_387 = arith.addf %parallel_loop3A_339, %parallel_loop3A_386 : vector<16xf32>
      %parallel_loop3A_388 = arith.constant 30 : i32
      %parallel_loop3A_389 = vector.broadcast %parallel_loop3A_388 : i32 to vector<16xi32>
      %parallel_loop3A_390 = arith.addi %parallel_loop3A_27, %parallel_loop3A_389 : vector<16xi32>
      %parallel_loop3A_391 = tpu.vector_load_idx %arg9[%parallel_loop3A_390] : memref<25600xi32, #tpu.memory_space<vmem>>[vector<16xi32>], vector<16xi32>,
      %parallel_loop3A_392 = arith.addi %parallel_loop3A_391, %parallel_loop3A_391 : vector<16xi32>
      %parallel_loop3A_393 = tpu.vector_load_idx %arg11[%parallel_loop3A_392] : memref<200xf32, #tpu.memory_space<vmem>>[vector<16xi32>], vector<16xf32>,
      %parallel_loop3A_394 = arith.addf %parallel_loop3A_346, %parallel_loop3A_393 : vector<16xf32>
      %parallel_loop3A_395 = arith.constant 1 : i32
      %parallel_loop3A_396 = vector.broadcast %parallel_loop3A_395 : i32 to vector<16xi32>
      %parallel_loop3A_397 = arith.addi %parallel_loop3A_392, %parallel_loop3A_396 : vector<16xi32>
      %parallel_loop3A_398 = tpu.vector_load_idx %arg11[%parallel_loop3A_397] : memref<200xf32, #tpu.memory_space<vmem>>[vector<16xi32>], vector<16xf32>,
      %parallel_loop3A_399 = arith.addf %parallel_loop3A_351, %parallel_loop3A_398 : vector<16xf32>
      %parallel_loop3A_400 = arith.constant 31 : i32
      %parallel_loop3A_401 = vector.broadcast %parallel_loop3A_400 : i32 to vector<16xi32>
      %parallel_loop3A_402 = arith.addi %parallel_loop3A_27, %parallel_loop3A_401 : vector<16xi32>
      %parallel_loop3A_403 = tpu.vector_load_idx %arg9[%parallel_loop3A_402] : memref<25600xi32, #tpu.memory_space<vmem>>[vector<16xi32>], vector<16xi32>,
      %parallel_loop3A_404 = arith.addi %parallel_loop3A_403, %parallel_loop3A_403 : vector<16xi32>
      %parallel_loop3A_405 = tpu.vector_load_idx %arg11[%parallel_loop3A_404] : memref<200xf32, #tpu.memory_space<vmem>>[vector<16xi32>], vector<16xf32>,
      %parallel_loop3A_406 = arith.addf %parallel_loop3A_358, %parallel_loop3A_405 : vector<16xf32>
      %parallel_loop3A_407 = arith.constant 1 : i32
      %parallel_loop3A_408 = vector.broadcast %parallel_loop3A_407 : i32 to vector<16xi32>
      %parallel_loop3A_409 = arith.addi %parallel_loop3A_404, %parallel_loop3A_408 : vector<16xi32>
      %parallel_loop3A_410 = tpu.vector_load_idx %arg11[%parallel_loop3A_409] : memref<200xf32, #tpu.memory_space<vmem>>[vector<16xi32>], vector<16xf32>,
      %parallel_loop3A_411 = arith.addf %parallel_loop3A_363, %parallel_loop3A_410 : vector<16xf32>
      %parallel_loop3A_412 = arith.constant 32 : i32
      %parallel_loop3A_413 = vector.broadcast %parallel_loop3A_412 : i32 to vector<16xi32>
      %parallel_loop3A_414 = arith.addi %parallel_loop3A_27, %parallel_loop3A_413 : vector<16xi32>
      %parallel_loop3A_415 = tpu.vector_load_idx %arg9[%parallel_loop3A_414] : memref<25600xi32, #tpu.memory_space<vmem>>[vector<16xi32>], vector<16xi32>,
      %parallel_loop3A_416 = arith.addi %parallel_loop3A_415, %parallel_loop3A_415 : vector<16xi32>
      %parallel_loop3A_417 = tpu.vector_load_idx %arg11[%parallel_loop3A_416] : memref<200xf32, #tpu.memory_space<vmem>>[vector<16xi32>], vector<16xf32>,
      %parallel_loop3A_418 = arith.addf %parallel_loop3A_370, %parallel_loop3A_417 : vector<16xf32>
      %parallel_loop3A_419 = arith.constant 1 : i32
      %parallel_loop3A_420 = vector.broadcast %parallel_loop3A_419 : i32 to vector<16xi32>
      %parallel_loop3A_421 = arith.addi %parallel_loop3A_416, %parallel_loop3A_420 : vector<16xi32>
      %parallel_loop3A_422 = tpu.vector_load_idx %arg11[%parallel_loop3A_421] : memref<200xf32, #tpu.memory_space<vmem>>[vector<16xi32>], vector<16xf32>,
      %parallel_loop3A_423 = arith.addf %parallel_loop3A_375, %parallel_loop3A_422 : vector<16xf32>
      %parallel_loop3A_424 = arith.constant 33 : i32
      %parallel_loop3A_425 = vector.broadcast %parallel_loop3A_424 : i32 to vector<16xi32>
      %parallel_loop3A_426 = arith.addi %parallel_loop3A_27, %parallel_loop3A_425 : vector<16xi32>
      %parallel_loop3A_427 = tpu.vector_load_idx %arg9[%parallel_loop3A_426] : memref<25600xi32, #tpu.memory_space<vmem>>[vector<16xi32>], vector<16xi32>,
      %parallel_loop3A_428 = arith.addi %parallel_loop3A_427, %parallel_loop3A_427 : vector<16xi32>
      %parallel_loop3A_429 = tpu.vector_load_idx %arg11[%parallel_loop3A_428] : memref<200xf32, #tpu.memory_space<vmem>>[vector<16xi32>], vector<16xf32>,
      %parallel_loop3A_430 = arith.addf %parallel_loop3A_382, %parallel_loop3A_429 : vector<16xf32>
      %parallel_loop3A_431 = arith.constant 1 : i32
      %parallel_loop3A_432 = vector.broadcast %parallel_loop3A_431 : i32 to vector<16xi32>
      %parallel_loop3A_433 = arith.addi %parallel_loop3A_428, %parallel_loop3A_432 : vector<16xi32>
      %parallel_loop3A_434 = tpu.vector_load_idx %arg11[%parallel_loop3A_433] : memref<200xf32, #tpu.memory_space<vmem>>[vector<16xi32>], vector<16xf32>,
      %parallel_loop3A_435 = arith.addf %parallel_loop3A_387, %parallel_loop3A_434 : vector<16xf32>
      %parallel_loop3A_436 = arith.constant 34 : i32
      %parallel_loop3A_437 = vector.broadcast %parallel_loop3A_436 : i32 to vector<16xi32>
      %parallel_loop3A_438 = arith.addi %parallel_loop3A_27, %parallel_loop3A_437 : vector<16xi32>
      %parallel_loop3A_439 = tpu.vector_load_idx %arg9[%parallel_loop3A_438] : memref<25600xi32, #tpu.memory_space<vmem>>[vector<16xi32>], vector<16xi32>,
      %parallel_loop3A_440 = arith.addi %parallel_loop3A_439, %parallel_loop3A_439 : vector<16xi32>
      %parallel_loop3A_441 = tpu.vector_load_idx %arg11[%parallel_loop3A_440] : memref<200xf32, #tpu.memory_space<vmem>>[vector<16xi32>], vector<16xf32>,
      %parallel_loop3A_442 = arith.addf %parallel_loop3A_394, %parallel_loop3A_441 : vector<16xf32>
      %parallel_loop3A_443 = arith.constant 1 : i32
      %parallel_loop3A_444 = vector.broadcast %parallel_loop3A_443 : i32 to vector<16xi32>
      %parallel_loop3A_445 = arith.addi %parallel_loop3A_440, %parallel_loop3A_444 : vector<16xi32>
      %parallel_loop3A_446 = tpu.vector_load_idx %arg11[%parallel_loop3A_445] : memref<200xf32, #tpu.memory_space<vmem>>[vector<16xi32>], vector<16xf32>,
      %parallel_loop3A_447 = arith.addf %parallel_loop3A_399, %parallel_loop3A_446 : vector<16xf32>
      %parallel_loop3A_448 = arith.constant 35 : i32
      %parallel_loop3A_449 = vector.broadcast %parallel_loop3A_448 : i32 to vector<16xi32>
      %parallel_loop3A_450 = arith.addi %parallel_loop3A_27, %parallel_loop3A_449 : vector<16xi32>
      %parallel_loop3A_451 = tpu.vector_load_idx %arg9[%parallel_loop3A_450] : memref<25600xi32, #tpu.memory_space<vmem>>[vector<16xi32>], vector<16xi32>,
      %parallel_loop3A_452 = arith.addi %parallel_loop3A_451, %parallel_loop3A_451 : vector<16xi32>
      %parallel_loop3A_453 = tpu.vector_load_idx %arg11[%parallel_loop3A_452] : memref<200xf32, #tpu.memory_space<vmem>>[vector<16xi32>], vector<16xf32>,
      %parallel_loop3A_454 = arith.addf %parallel_loop3A_406, %parallel_loop3A_453 : vector<16xf32>
      %parallel_loop3A_455 = arith.constant 1 : i32
      %parallel_loop3A_456 = vector.broadcast %parallel_loop3A_455 : i32 to vector<16xi32>
      %parallel_loop3A_457 = arith.addi %parallel_loop3A_452, %parallel_loop3A_456 : vector<16xi32>
      %parallel_loop3A_458 = tpu.vector_load_idx %arg11[%parallel_loop3A_457] : memref<200xf32, #tpu.memory_space<vmem>>[vector<16xi32>], vector<16xf32>,
      %parallel_loop3A_459 = arith.addf %parallel_loop3A_411, %parallel_loop3A_458 : vector<16xf32>
      %parallel_loop3A_460 = arith.constant 36 : i32
      %parallel_loop3A_461 = vector.broadcast %parallel_loop3A_460 : i32 to vector<16xi32>
      %parallel_loop3A_462 = arith.addi %parallel_loop3A_27, %parallel_loop3A_461 : vector<16xi32>
      %parallel_loop3A_463 = tpu.vector_load_idx %arg9[%parallel_loop3A_462] : memref<25600xi32, #tpu.memory_space<vmem>>[vector<16xi32>], vector<16xi32>,
      %parallel_loop3A_464 = arith.addi %parallel_loop3A_463, %parallel_loop3A_463 : vector<16xi32>
      %parallel_loop3A_465 = tpu.vector_load_idx %arg11[%parallel_loop3A_464] : memref<200xf32, #tpu.memory_space<vmem>>[vector<16xi32>], vector<16xf32>,
      %parallel_loop3A_466 = arith.addf %parallel_loop3A_418, %parallel_loop3A_465 : vector<16xf32>
      %parallel_loop3A_467 = arith.constant 1 : i32
      %parallel_loop3A_468 = vector.broadcast %parallel_loop3A_467 : i32 to vector<16xi32>
      %parallel_loop3A_469 = arith.addi %parallel_loop3A_464, %parallel_loop3A_468 : vector<16xi32>
      %parallel_loop3A_470 = tpu.vector_load_idx %arg11[%parallel_loop3A_469] : memref<200xf32, #tpu.memory_space<vmem>>[vector<16xi32>], vector<16xf32>,
      %parallel_loop3A_471 = arith.addf %parallel_loop3A_423, %parallel_loop3A_470 : vector<16xf32>
      %parallel_loop3A_472 = arith.constant 37 : i32
      %parallel_loop3A_473 = vector.broadcast %parallel_loop3A_472 : i32 to vector<16xi32>
      %parallel_loop3A_474 = arith.addi %parallel_loop3A_27, %parallel_loop3A_473 : vector<16xi32>
      %parallel_loop3A_475 = tpu.vector_load_idx %arg9[%parallel_loop3A_474] : memref<25600xi32, #tpu.memory_space<vmem>>[vector<16xi32>], vector<16xi32>,
      %parallel_loop3A_476 = arith.addi %parallel_loop3A_475, %parallel_loop3A_475 : vector<16xi32>
      %parallel_loop3A_477 = tpu.vector_load_idx %arg11[%parallel_loop3A_476] : memref<200xf32, #tpu.memory_space<vmem>>[vector<16xi32>], vector<16xf32>,
      %parallel_loop3A_478 = arith.addf %parallel_loop3A_430, %parallel_loop3A_477 : vector<16xf32>
      %parallel_loop3A_479 = arith.constant 1 : i32
      %parallel_loop3A_480 = vector.broadcast %parallel_loop3A_479 : i32 to vector<16xi32>
      %parallel_loop3A_481 = arith.addi %parallel_loop3A_476, %parallel_loop3A_480 : vector<16xi32>
      %parallel_loop3A_482 = tpu.vector_load_idx %arg11[%parallel_loop3A_481] : memref<200xf32, #tpu.memory_space<vmem>>[vector<16xi32>], vector<16xf32>,
      %parallel_loop3A_483 = arith.addf %parallel_loop3A_435, %parallel_loop3A_482 : vector<16xf32>
      %parallel_loop3A_484 = arith.constant 38 : i32
      %parallel_loop3A_485 = vector.broadcast %parallel_loop3A_484 : i32 to vector<16xi32>
      %parallel_loop3A_486 = arith.addi %parallel_loop3A_27, %parallel_loop3A_485 : vector<16xi32>
      %parallel_loop3A_487 = tpu.vector_load_idx %arg9[%parallel_loop3A_486] : memref<25600xi32, #tpu.memory_space<vmem>>[vector<16xi32>], vector<16xi32>,
      %parallel_loop3A_488 = arith.addi %parallel_loop3A_487, %parallel_loop3A_487 : vector<16xi32>
      %parallel_loop3A_489 = tpu.vector_load_idx %arg11[%parallel_loop3A_488] : memref<200xf32, #tpu.memory_space<vmem>>[vector<16xi32>], vector<16xf32>,
      %parallel_loop3A_490 = arith.addf %parallel_loop3A_442, %parallel_loop3A_489 : vector<16xf32>
      %parallel_loop3A_491 = arith.constant 1 : i32
      %parallel_loop3A_492 = vector.broadcast %parallel_loop3A_491 : i32 to vector<16xi32>
      %parallel_loop3A_493 = arith.addi %parallel_loop3A_488, %parallel_loop3A_492 : vector<16xi32>
      %parallel_loop3A_494 = tpu.vector_load_idx %arg11[%parallel_loop3A_493] : memref<200xf32, #tpu.memory_space<vmem>>[vector<16xi32>], vector<16xf32>,
      %parallel_loop3A_495 = arith.addf %parallel_loop3A_447, %parallel_loop3A_494 : vector<16xf32>
      %parallel_loop3A_496 = arith.constant 39 : i32
      %parallel_loop3A_497 = vector.broadcast %parallel_loop3A_496 : i32 to vector<16xi32>
      %parallel_loop3A_498 = arith.addi %parallel_loop3A_27, %parallel_loop3A_497 : vector<16xi32>
      %parallel_loop3A_499 = tpu.vector_load_idx %arg9[%parallel_loop3A_498] : memref<25600xi32, #tpu.memory_space<vmem>>[vector<16xi32>], vector<16xi32>,
      %parallel_loop3A_500 = arith.addi %parallel_loop3A_499, %parallel_loop3A_499 : vector<16xi32>
      %parallel_loop3A_501 = tpu.vector_load_idx %arg11[%parallel_loop3A_500] : memref<200xf32, #tpu.memory_space<vmem>>[vector<16xi32>], vector<16xf32>,
      %parallel_loop3A_502 = arith.addf %parallel_loop3A_454, %parallel_loop3A_501 : vector<16xf32>
      %parallel_loop3A_503 = arith.constant 1 : i32
      %parallel_loop3A_504 = vector.broadcast %parallel_loop3A_503 : i32 to vector<16xi32>
      %parallel_loop3A_505 = arith.addi %parallel_loop3A_500, %parallel_loop3A_504 : vector<16xi32>
      %parallel_loop3A_506 = tpu.vector_load_idx %arg11[%parallel_loop3A_505] : memref<200xf32, #tpu.memory_space<vmem>>[vector<16xi32>], vector<16xf32>,
      %parallel_loop3A_507 = arith.addf %parallel_loop3A_459, %parallel_loop3A_506 : vector<16xf32>
      %parallel_loop3A_508 = arith.constant 40 : i32
      %parallel_loop3A_509 = vector.broadcast %parallel_loop3A_508 : i32 to vector<16xi32>
      %parallel_loop3A_510 = arith.addi %parallel_loop3A_27, %parallel_loop3A_509 : vector<16xi32>
      %parallel_loop3A_511 = tpu.vector_load_idx %arg9[%parallel_loop3A_510] : memref<25600xi32, #tpu.memory_space<vmem>>[vector<16xi32>], vector<16xi32>,
      %parallel_loop3A_512 = arith.addi %parallel_loop3A_511, %parallel_loop3A_511 : vector<16xi32>
      %parallel_loop3A_513 = tpu.vector_load_idx %arg11[%parallel_loop3A_512] : memref<200xf32, #tpu.memory_space<vmem>>[vector<16xi32>], vector<16xf32>,
      %parallel_loop3A_514 = arith.addf %parallel_loop3A_466, %parallel_loop3A_513 : vector<16xf32>
      %parallel_loop3A_515 = arith.constant 1 : i32
      %parallel_loop3A_516 = vector.broadcast %parallel_loop3A_515 : i32 to vector<16xi32>
      %parallel_loop3A_517 = arith.addi %parallel_loop3A_512, %parallel_loop3A_516 : vector<16xi32>
      %parallel_loop3A_518 = tpu.vector_load_idx %arg11[%parallel_loop3A_517] : memref<200xf32, #tpu.memory_space<vmem>>[vector<16xi32>], vector<16xf32>,
      %parallel_loop3A_519 = arith.addf %parallel_loop3A_471, %parallel_loop3A_518 : vector<16xf32>
      %parallel_loop3A_520 = arith.constant 41 : i32
      %parallel_loop3A_521 = vector.broadcast %parallel_loop3A_520 : i32 to vector<16xi32>
      %parallel_loop3A_522 = arith.addi %parallel_loop3A_27, %parallel_loop3A_521 : vector<16xi32>
      %parallel_loop3A_523 = tpu.vector_load_idx %arg9[%parallel_loop3A_522] : memref<25600xi32, #tpu.memory_space<vmem>>[vector<16xi32>], vector<16xi32>,
      %parallel_loop3A_524 = arith.addi %parallel_loop3A_523, %parallel_loop3A_523 : vector<16xi32>
      %parallel_loop3A_525 = tpu.vector_load_idx %arg11[%parallel_loop3A_524] : memref<200xf32, #tpu.memory_space<vmem>>[vector<16xi32>], vector<16xf32>,
      %parallel_loop3A_526 = arith.addf %parallel_loop3A_478, %parallel_loop3A_525 : vector<16xf32>
      %parallel_loop3A_527 = arith.constant 1 : i32
      %parallel_loop3A_528 = vector.broadcast %parallel_loop3A_527 : i32 to vector<16xi32>
      %parallel_loop3A_529 = arith.addi %parallel_loop3A_524, %parallel_loop3A_528 : vector<16xi32>
      %parallel_loop3A_530 = tpu.vector_load_idx %arg11[%parallel_loop3A_529] : memref<200xf32, #tpu.memory_space<vmem>>[vector<16xi32>], vector<16xf32>,
      %parallel_loop3A_531 = arith.addf %parallel_loop3A_483, %parallel_loop3A_530 : vector<16xf32>
      %parallel_loop3A_532 = arith.constant 42 : i32
      %parallel_loop3A_533 = vector.broadcast %parallel_loop3A_532 : i32 to vector<16xi32>
      %parallel_loop3A_534 = arith.addi %parallel_loop3A_27, %parallel_loop3A_533 : vector<16xi32>
      %parallel_loop3A_535 = tpu.vector_load_idx %arg9[%parallel_loop3A_534] : memref<25600xi32, #tpu.memory_space<vmem>>[vector<16xi32>], vector<16xi32>,
      %parallel_loop3A_536 = arith.addi %parallel_loop3A_535, %parallel_loop3A_535 : vector<16xi32>
      %parallel_loop3A_537 = tpu.vector_load_idx %arg11[%parallel_loop3A_536] : memref<200xf32, #tpu.memory_space<vmem>>[vector<16xi32>], vector<16xf32>,
      %parallel_loop3A_538 = arith.addf %parallel_loop3A_490, %parallel_loop3A_537 : vector<16xf32>
      %parallel_loop3A_539 = arith.constant 1 : i32
      %parallel_loop3A_540 = vector.broadcast %parallel_loop3A_539 : i32 to vector<16xi32>
      %parallel_loop3A_541 = arith.addi %parallel_loop3A_536, %parallel_loop3A_540 : vector<16xi32>
      %parallel_loop3A_542 = tpu.vector_load_idx %arg11[%parallel_loop3A_541] : memref<200xf32, #tpu.memory_space<vmem>>[vector<16xi32>], vector<16xf32>,
      %parallel_loop3A_543 = arith.addf %parallel_loop3A_495, %parallel_loop3A_542 : vector<16xf32>
      %parallel_loop3A_544 = arith.constant 43 : i32
      %parallel_loop3A_545 = vector.broadcast %parallel_loop3A_544 : i32 to vector<16xi32>
      %parallel_loop3A_546 = arith.addi %parallel_loop3A_27, %parallel_loop3A_545 : vector<16xi32>
      %parallel_loop3A_547 = tpu.vector_load_idx %arg9[%parallel_loop3A_546] : memref<25600xi32, #tpu.memory_space<vmem>>[vector<16xi32>], vector<16xi32>,
      %parallel_loop3A_548 = arith.addi %parallel_loop3A_547, %parallel_loop3A_547 : vector<16xi32>
      %parallel_loop3A_549 = tpu.vector_load_idx %arg11[%parallel_loop3A_548] : memref<200xf32, #tpu.memory_space<vmem>>[vector<16xi32>], vector<16xf32>,
      %parallel_loop3A_550 = arith.addf %parallel_loop3A_502, %parallel_loop3A_549 : vector<16xf32>
      %parallel_loop3A_551 = arith.constant 1 : i32
      %parallel_loop3A_552 = vector.broadcast %parallel_loop3A_551 : i32 to vector<16xi32>
      %parallel_loop3A_553 = arith.addi %parallel_loop3A_548, %parallel_loop3A_552 : vector<16xi32>
      %parallel_loop3A_554 = tpu.vector_load_idx %arg11[%parallel_loop3A_553] : memref<200xf32, #tpu.memory_space<vmem>>[vector<16xi32>], vector<16xf32>,
      %parallel_loop3A_555 = arith.addf %parallel_loop3A_507, %parallel_loop3A_554 : vector<16xf32>
      %parallel_loop3A_556 = arith.constant 44 : i32
      %parallel_loop3A_557 = vector.broadcast %parallel_loop3A_556 : i32 to vector<16xi32>
      %parallel_loop3A_558 = arith.addi %parallel_loop3A_27, %parallel_loop3A_557 : vector<16xi32>
      %parallel_loop3A_559 = tpu.vector_load_idx %arg9[%parallel_loop3A_558] : memref<25600xi32, #tpu.memory_space<vmem>>[vector<16xi32>], vector<16xi32>,
      %parallel_loop3A_560 = arith.addi %parallel_loop3A_559, %parallel_loop3A_559 : vector<16xi32>
      %parallel_loop3A_561 = tpu.vector_load_idx %arg11[%parallel_loop3A_560] : memref<200xf32, #tpu.memory_space<vmem>>[vector<16xi32>], vector<16xf32>,
      %parallel_loop3A_562 = arith.addf %parallel_loop3A_514, %parallel_loop3A_561 : vector<16xf32>
      %parallel_loop3A_563 = arith.constant 1 : i32
      %parallel_loop3A_564 = vector.broadcast %parallel_loop3A_563 : i32 to vector<16xi32>
      %parallel_loop3A_565 = arith.addi %parallel_loop3A_560, %parallel_loop3A_564 : vector<16xi32>
      %parallel_loop3A_566 = tpu.vector_load_idx %arg11[%parallel_loop3A_565] : memref<200xf32, #tpu.memory_space<vmem>>[vector<16xi32>], vector<16xf32>,
      %parallel_loop3A_567 = arith.addf %parallel_loop3A_519, %parallel_loop3A_566 : vector<16xf32>
      %parallel_loop3A_568 = arith.constant 45 : i32
      %parallel_loop3A_569 = vector.broadcast %parallel_loop3A_568 : i32 to vector<16xi32>
      %parallel_loop3A_570 = arith.addi %parallel_loop3A_27, %parallel_loop3A_569 : vector<16xi32>
      %parallel_loop3A_571 = tpu.vector_load_idx %arg9[%parallel_loop3A_570] : memref<25600xi32, #tpu.memory_space<vmem>>[vector<16xi32>], vector<16xi32>,
      %parallel_loop3A_572 = arith.addi %parallel_loop3A_571, %parallel_loop3A_571 : vector<16xi32>
      %parallel_loop3A_573 = tpu.vector_load_idx %arg11[%parallel_loop3A_572] : memref<200xf32, #tpu.memory_space<vmem>>[vector<16xi32>], vector<16xf32>,
      %parallel_loop3A_574 = arith.addf %parallel_loop3A_526, %parallel_loop3A_573 : vector<16xf32>
      %parallel_loop3A_575 = arith.constant 1 : i32
      %parallel_loop3A_576 = vector.broadcast %parallel_loop3A_575 : i32 to vector<16xi32>
      %parallel_loop3A_577 = arith.addi %parallel_loop3A_572, %parallel_loop3A_576 : vector<16xi32>
      %parallel_loop3A_578 = tpu.vector_load_idx %arg11[%parallel_loop3A_577] : memref<200xf32, #tpu.memory_space<vmem>>[vector<16xi32>], vector<16xf32>,
      %parallel_loop3A_579 = arith.addf %parallel_loop3A_531, %parallel_loop3A_578 : vector<16xf32>
      %parallel_loop3A_580 = arith.constant 46 : i32
      %parallel_loop3A_581 = vector.broadcast %parallel_loop3A_580 : i32 to vector<16xi32>
      %parallel_loop3A_582 = arith.addi %parallel_loop3A_27, %parallel_loop3A_581 : vector<16xi32>
      %parallel_loop3A_583 = tpu.vector_load_idx %arg9[%parallel_loop3A_582] : memref<25600xi32, #tpu.memory_space<vmem>>[vector<16xi32>], vector<16xi32>,
      %parallel_loop3A_584 = arith.addi %parallel_loop3A_583, %parallel_loop3A_583 : vector<16xi32>
      %parallel_loop3A_585 = tpu.vector_load_idx %arg11[%parallel_loop3A_584] : memref<200xf32, #tpu.memory_space<vmem>>[vector<16xi32>], vector<16xf32>,
      %parallel_loop3A_586 = arith.addf %parallel_loop3A_538, %parallel_loop3A_585 : vector<16xf32>
      %parallel_loop3A_587 = arith.constant 1 : i32
      %parallel_loop3A_588 = vector.broadcast %parallel_loop3A_587 : i32 to vector<16xi32>
      %parallel_loop3A_589 = arith.addi %parallel_loop3A_584, %parallel_loop3A_588 : vector<16xi32>
      %parallel_loop3A_590 = tpu.vector_load_idx %arg11[%parallel_loop3A_589] : memref<200xf32, #tpu.memory_space<vmem>>[vector<16xi32>], vector<16xf32>,
      %parallel_loop3A_591 = arith.addf %parallel_loop3A_543, %parallel_loop3A_590 : vector<16xf32>
      %parallel_loop3A_592 = arith.constant 47 : i32
      %parallel_loop3A_593 = vector.broadcast %parallel_loop3A_592 : i32 to vector<16xi32>
      %parallel_loop3A_594 = arith.addi %parallel_loop3A_27, %parallel_loop3A_593 : vector<16xi32>
      %parallel_loop3A_595 = tpu.vector_load_idx %arg9[%parallel_loop3A_594] : memref<25600xi32, #tpu.memory_space<vmem>>[vector<16xi32>], vector<16xi32>,
      %parallel_loop3A_596 = arith.addi %parallel_loop3A_595, %parallel_loop3A_595 : vector<16xi32>
      %parallel_loop3A_597 = tpu.vector_load_idx %arg11[%parallel_loop3A_596] : memref<200xf32, #tpu.memory_space<vmem>>[vector<16xi32>], vector<16xf32>,
      %parallel_loop3A_598 = arith.addf %parallel_loop3A_550, %parallel_loop3A_597 : vector<16xf32>
      %parallel_loop3A_599 = arith.constant 1 : i32
      %parallel_loop3A_600 = vector.broadcast %parallel_loop3A_599 : i32 to vector<16xi32>
      %parallel_loop3A_601 = arith.addi %parallel_loop3A_596, %parallel_loop3A_600 : vector<16xi32>
      %parallel_loop3A_602 = tpu.vector_load_idx %arg11[%parallel_loop3A_601] : memref<200xf32, #tpu.memory_space<vmem>>[vector<16xi32>], vector<16xf32>,
      %parallel_loop3A_603 = arith.addf %parallel_loop3A_555, %parallel_loop3A_602 : vector<16xf32>
      %parallel_loop3A_604 = arith.constant 48 : i32
      %parallel_loop3A_605 = vector.broadcast %parallel_loop3A_604 : i32 to vector<16xi32>
      %parallel_loop3A_606 = arith.addi %parallel_loop3A_27, %parallel_loop3A_605 : vector<16xi32>
      %parallel_loop3A_607 = tpu.vector_load_idx %arg9[%parallel_loop3A_606] : memref<25600xi32, #tpu.memory_space<vmem>>[vector<16xi32>], vector<16xi32>,
      %parallel_loop3A_608 = arith.addi %parallel_loop3A_607, %parallel_loop3A_607 : vector<16xi32>
      %parallel_loop3A_609 = tpu.vector_load_idx %arg11[%parallel_loop3A_608] : memref<200xf32, #tpu.memory_space<vmem>>[vector<16xi32>], vector<16xf32>,
      %parallel_loop3A_610 = arith.addf %parallel_loop3A_562, %parallel_loop3A_609 : vector<16xf32>
      %parallel_loop3A_611 = arith.constant 1 : i32
      %parallel_loop3A_612 = vector.broadcast %parallel_loop3A_611 : i32 to vector<16xi32>
      %parallel_loop3A_613 = arith.addi %parallel_loop3A_608, %parallel_loop3A_612 : vector<16xi32>
      %parallel_loop3A_614 = tpu.vector_load_idx %arg11[%parallel_loop3A_613] : memref<200xf32, #tpu.memory_space<vmem>>[vector<16xi32>], vector<16xf32>,
      %parallel_loop3A_615 = arith.addf %parallel_loop3A_567, %parallel_loop3A_614 : vector<16xf32>
      %parallel_loop3A_616 = arith.constant 49 : i32
      %parallel_loop3A_617 = vector.broadcast %parallel_loop3A_616 : i32 to vector<16xi32>
      %parallel_loop3A_618 = arith.addi %parallel_loop3A_27, %parallel_loop3A_617 : vector<16xi32>
      %parallel_loop3A_619 = tpu.vector_load_idx %arg9[%parallel_loop3A_618] : memref<25600xi32, #tpu.memory_space<vmem>>[vector<16xi32>], vector<16xi32>,
      %parallel_loop3A_620 = arith.addi %parallel_loop3A_619, %parallel_loop3A_619 : vector<16xi32>
      %parallel_loop3A_621 = tpu.vector_load_idx %arg11[%parallel_loop3A_620] : memref<200xf32, #tpu.memory_space<vmem>>[vector<16xi32>], vector<16xf32>,
      %parallel_loop3A_622 = arith.addf %parallel_loop3A_574, %parallel_loop3A_621 : vector<16xf32>
      %parallel_loop3A_623 = arith.constant 1 : i32
      %parallel_loop3A_624 = vector.broadcast %parallel_loop3A_623 : i32 to vector<16xi32>
      %parallel_loop3A_625 = arith.addi %parallel_loop3A_620, %parallel_loop3A_624 : vector<16xi32>
      %parallel_loop3A_626 = tpu.vector_load_idx %arg11[%parallel_loop3A_625] : memref<200xf32, #tpu.memory_space<vmem>>[vector<16xi32>], vector<16xf32>,
      %parallel_loop3A_627 = arith.addf %parallel_loop3A_579, %parallel_loop3A_626 : vector<16xf32>
      %parallel_loop3A_628 = arith.addf %parallel_loop3A_610, %parallel_loop3A_622 : vector<16xf32>
      %parallel_loop3A_629 = arith.addf %parallel_loop3A_586, %parallel_loop3A_598 : vector<16xf32>
      %parallel_loop3A_630 = arith.addf %parallel_loop3A_628, %parallel_loop3A_629 : vector<16xf32>
      %parallel_loop3A_631 = arith.addf %parallel_loop3A_615, %parallel_loop3A_627 : vector<16xf32>
      %parallel_loop3A_632 = arith.addf %parallel_loop3A_591, %parallel_loop3A_603 : vector<16xf32>
      %parallel_loop3A_633 = arith.addf %parallel_loop3A_631, %parallel_loop3A_632 : vector<16xf32>
      %parallel_loop3A_634 = arith.constant 32 : i32
      %parallel_loop3A_635 = arith.muli %parallel_loop3A_23, %parallel_loop3A_634 : i32
      %parallel_loop3A_636 = vector.broadcast %parallel_loop3A_635 : i32 to vector<16xi32>
      %parallel_loop3A_637 = arith.addi %mul3A_11, %parallel_loop3A_636 : vector<16xi32>
      tpu.vector_store_idx %arg13[%parallel_loop3A_637], %parallel_loop3A_630 : memref<1024xf32, #tpu.memory_space<vmem>>[vector<16xi32>], vector<16xf32>,
      %parallel_loop3A_638 = arith.constant 1 : i32
      %parallel_loop3A_639 = vector.broadcast %parallel_loop3A_638 : i32 to vector<16xi32>
      %parallel_loop3A_640 = arith.addi %parallel_loop3A_637, %parallel_loop3A_639 : vector<16xi32>
      tpu.vector_store_idx %arg13[%parallel_loop3A_640], %parallel_loop3A_633 : memref<1024xf32, #tpu.memory_space<vmem>>[vector<16xi32>], vector<16xf32>,
    } {sc.loop_unroll_factor = 1 : i64, sc.parallel_access}
    %mul3A_21 = arith.constant 2 : i32
    %mul3A_22 = arith.muli %mul3A_2, %mul3A_21 : i32
    "tpu.region"() ({
      %run_scoped3A = tpu.sem_alloc : memref<!tpu.dma_semaphore, #tpu.memory_space<semaphore_mem>>
      %dma_start3A_23 = tpu.memref_slice %arg7[%mul3A_22] : memref<32768xf32, #tpu.memory_space<hbm>> -> memref<1024xf32, #tpu.memory_space<hbm>>
      %dma_start3A_24 = tpu.memref_slice %arg7[%mul3A_22] : memref<32768xf32, #tpu.memory_space<hbm>> -> memref<1024xf32, #tpu.memory_space<hbm>>
      tpu.enqueue_dma source(%arg13 : memref<1024xf32, #tpu.memory_space<vmem>>) target(%dma_start3A_24 : memref<1024xf32, #tpu.memory_space<hbm>>) target_semaphore(%run_scoped3A : memref<!tpu.dma_semaphore, #tpu.memory_space<semaphore_mem>>)
      %dma_wait3A_25 = tpu.memref_slice %arg7[%mul3A_22] : memref<32768xf32, #tpu.memory_space<hbm>> -> memref<1024xf32, #tpu.memory_space<hbm>>
      %dma_wait3A_26 = tpu.memref_slice %arg7[%mul3A_22] : memref<32768xf32, #tpu.memory_space<hbm>> -> memref<1024xf32, #tpu.memory_space<hbm>>
      tpu.wait_dma2 semaphore(%run_scoped3A : memref<!tpu.dma_semaphore, #tpu.memory_space<semaphore_mem>>) src(%arg13 : memref<1024xf32, #tpu.memory_space<vmem>>) dst(%dma_wait3A_26 : memref<1024xf32, #tpu.memory_space<hbm>>)
      tpu.yield
    }) : () -> ()
    return
  }
}

</mosaic_0001>

<sc_bundles>
// kernel: kernel.3.cloned.1.call-start
scs
__scs_entry_jumppad:
0x0: {  	(pc) =	sbr.rel $0x88, $3  }
0x1: {  	(tag) =	ssettag $0x0;
	lr =	simm.s32 $0x1  }
0x2: {  	[smem:$0x3F9D] =	sst lr;
	_ =	strace $0xD0000000  }
0x3: {  	_ = 	snop  }
0x4: {  	_ = 	snop  }
0x5: {  	_ = 	snop  }
0x6: {  	_ = 	snop  }
0x7: {  	_ = 	snop  }
__scs_overlays_trampoline_lowered:
0x8: {  	[smem:$0x3FAC] =	sst s0  }
0x9: {  	[smem:$0x3FAD] =	sst s1  }
0xa: {  	[smem:$0x3FAE] =	sst s2  }
0xb: {  	[smem:$0x3FAF] =	sst s3  }
0xc: {  	[smem:$0x3FB0] =	sst s4  }
0xd: {  	[smem:$0x3FB1] =	sst s5  }
0xe: {  	[smem:$0x3FB2] =	sst s6  }
0xf: {  	[smem:$0x3FB3] =	sst s7  }
0x10: {  	[smem:$0x3FB4] =	sst s8  }
0x11: {  	[smem:$0x3FB5] =	sst s9;
	s0 =	simm.s32 @!p0 $0x0  }
0x12: {  	s1 =	sld [smem:$0x3F9B];
	s0 =	simm.s32 @p0 $0x1  }
0x13: {  	[smem:$0x3FB6] =	sst s0;
	s0 =	simm.s32 @!p1 $0x0  }
0x14: {  	s2 =	sld [smem:$0x3F9A];
	s0 =	simm.s32 @p1 $0x1  }
0x15: {  	[smem:$0x3FB7] =	sst s0;
	s0 =	simm.s32 @!p2 $0x0  }
0x16: {  	s3 =	sld [smem:$0x3FDB];
	s0 =	simm.s32 @p2 $0x1  }
0x17: {  	s4 =	simm.s32 $0x1BF5;
	[smem:$0x3FB9] =	sst s0  }
0x18: {  	s0 =	sld [smem:$0x3F9C];
	_ =	swait.ge [sflag:s4], $0x0  }
0x19: {  	s7 =	sld [smem:$0x3F9D]  }
0x1a: {  	s8 =	sadd.s32 $0xFFFFE003, lr  }
0x1b: {  	s9 =	sadd.s32 $0xFFFFFEF7, lr;
	s5 =	simm.s32 $0xFFFFFFFF;
	p2 =	slt.u32 s8, $0xFFFFF086  }
0x1c: {  	p1 =	slt.u32 s9, $0xF7A;
	s5 =	simm.s32 @!p2 $0x0  }
0x1d: {  	s5 =	simm.s32 @p1 $0x1;
	p0 =	seq.s32 s7, s2  }
0x1e: {  	s7 =	smul.u32 @!p0 $0xF7A, s2;
	p2 =	seq.s32 @!p0 s5, $0x0  }
0x1f: {  	s9 =	smul.u32 $0xF7A, s1;
	s8 =	simm.s32 @!p0 $0x1BF5;
	p2 =	por !p2, p0  }
0x20: {  	[sflag:s8] =	ssyncset.s32 @!p0 $0xFFFFF086;
	s6 =	sadd.s32 @!p0 s3, s7;
	s7 =	simm.s32 @!p0 $0x108  }
0x21: {  	s3 =	sadd.s32 s3, s9;
	s6 =	sadd.s32 @!p0 $0x88, s6;
	s7 =	simm.s32 @p2 $0x1082  }
0x22: {  	[simem:s7], [sflag:s8] =	dma.local @!p0 [hbm:s6], $0xF7A  }
0x23: {  	s9 =	sor.u32 $0xD0000000, s2;
	s6 =	simm.s32 $0x108;
	_ =	swait.ge @!p0 [sflag:s8], $0x0  }
0x24: {  	s3 =	sadd.s32 $0x88, s3;
	s6 =	simm.s32 @!p1 $0x1082;
	[sflag:s4] =	ssyncset.s32 $0xFFFFF086  }
0x25: {  	[simem:s6], [sflag:s4] =	dma.local [hbm:s3], $0xF7A  }
0x26: {  	[smem:$0x3F9D] =	sst s1;
	(tag) =	ssettag s2;
	_ =	strace s9  }
0x27: {  	s1 =	sld [smem:$0x3FAD]  }
0x28: {  	s2 =	sld [smem:$0x3FAE]  }
0x29: {  	s4 =	sld [smem:$0x3FB0]  }
0x2a: {  	p0 =	seq.s32 s5, $0x0;
	s5 =	sld [smem:$0x3FB1]  }
0x2b: {  	s6 =	sld [smem:$0x3FB2]  }
0x2c: {  	s7 =	sld [smem:$0x3FB3]  }
0x2d: {  	s3 =	simm.s32 $0x108;
	s8 =	sld [smem:$0x3FB4]  }
0x2e: {  	s3 =	simm.s32 @!p0 $0x1082;
	s9 =	sld [smem:$0x3FB5]  }
0x2f: {  	lr =	sadd.s32 s0, s3;
	s0 =	sld [smem:$0x3FAC]  }
0x30: {  	s3 =	sld [smem:$0x3FAF]  }
0x31: {  	[smem:$0x3FB8] =	sst s10  }
0x32: {  	s10 =	sld [smem:$0x3FB6];
	_ =	sdelay $0x3  }
0x33: {  	p0 =	seq.s32 s10, $0x1;
	s10 =	sld [smem:$0x3FB8];
	_ =	sdelay $0x3  }
0x34: {  	[smem:$0x3FB8] =	sst s10  }
0x35: {  	s10 =	sld [smem:$0x3FB7];
	_ =	sdelay $0x3  }
0x36: {  	p1 =	seq.s32 s10, $0x1;
	s10 =	sld [smem:$0x3FB8];
	_ =	sdelay $0x3  }
0x37: {  	[smem:$0x3FB8] =	sst s10  }
0x38: {  	s10 =	sld [smem:$0x3FB9]  }
0x39: {  	_ = 	snop;
	(pc) =	sbr.ind lr, $3  }
0x3a: {  	_ = 	snop  }
0x3b: {  	_ = 	snop  }
0x3c: {  	p2 =	seq.s32 s10, $0x1;
	s10 =	sld [smem:$0x3FB8]  }
0x3d: {  	_ =	shalt  }
0x3e: {  	_ =	shalt  }
0x3f: {  	_ =	shalt  }
0x40: {  	_ =	shalt  }
0x41: {  	_ =	shalt  }
0x42: {  	_ =	shalt  }
0x43: {  	_ =	shalt  }
0x44: {  	_ =	shalt  }
0x45: {  	_ =	shalt  }
0x46: {  	_ =	shalt  }
0x47: {  	_ =	shalt  }
0x48: {  	_ =	shalt  }
0x49: {  	_ =	shalt  }
0x4a: {  	_ =	shalt  }
0x4b: {  	_ =	shalt  }
0x4c: {  	_ =	shalt  }
0x4d: {  	_ =	shalt  }
0x4e: {  	_ =	shalt  }
0x4f: {  	_ =	shalt  }
0x50: {  	_ =	shalt  }
0x51: {  	_ =	shalt  }
0x52: {  	_ =	shalt  }
0x53: {  	_ =	shalt  }
0x54: {  	_ =	shalt  }
0x55: {  	_ =	shalt  }
0x56: {  	_ =	shalt  }
0x57: {  	_ =	shalt  }
0x58: {  	_ =	shalt  }
0x59: {  	_ =	shalt  }
0x5a: {  	_ =	shalt  }
0x5b: {  	_ =	shalt  }
0x5c: {  	_ =	shalt  }
0x5d: {  	_ =	shalt  }
0x5e: {  	_ =	shalt  }
0x5f: {  	_ =	shalt  }
0x60: {  	_ =	shalt  }
0x61: {  	_ =	shalt  }
0x62: {  	_ =	shalt  }
0x63: {  	_ =	shalt  }
0x64: {  	_ =	shalt  }
0x65: {  	_ =	shalt  }
0x66: {  	_ =	shalt  }
0x67: {  	_ =	shalt  }
0x68: {  	_ =	shalt  }
0x69: {  	_ =	shalt  }
0x6a: {  	_ =	shalt  }
0x6b: {  	_ =	shalt  }
0x6c: {  	_ =	shalt  }
0x6d: {  	_ =	shalt  }
0x6e: {  	_ =	shalt  }
0x6f: {  	_ =	shalt  }
0x70: {  	_ =	shalt  }
0x71: {  	_ =	shalt  }
0x72: {  	_ =	shalt  }
0x73: {  	_ =	shalt  }
0x74: {  	_ =	shalt  }
0x75: {  	_ =	shalt  }
0x76: {  	_ =	shalt  }
0x77: {  	_ =	shalt  }
0x78: {  	_ =	shalt  }
0x79: {  	_ =	shalt  }
0x7a: {  	_ =	shalt  }
0x7b: {  	_ =	shalt  }
0x7c: {  	_ =	shalt  }
0x7d: {  	_ =	shalt  }
0x7e: {  	_ =	shalt  }
0x7f: {  	_ =	shalt  }
0x80: {  	_ =	shalt  }
0x81: {  	_ =	shalt  }
0x82: {  	_ =	shalt  }
0x83: {  	_ =	shalt  }
0x84: {  	_ =	shalt  }
0x85: {  	_ =	shalt  }
0x86: {  	_ =	shalt  }
0x87: {  	_ =	shalt  }
.Lfunc_end0:
.L_simem_size_0:
called_computation_lowered:
.L_overlay_start_0:
0x88: {  	s2 =	sld [smem:$0x3FD9]  }
0x89: {  	s3 =	sld [smem:$0x3FFE];
	_ =	sdelay $0x1  }
0x8a: {  	s1 =	srdreg.scid  }
0x8b: {  	s0 =	sand.u32 $0x1, s1  }
0x8c: {  	s14 =	sshll.u32 s0, $0xA;
	s2 =	sadd.s32 s3, s2  }
0x8d: {  	s2 =	sadd.s32 s2, s14  }
0x8e: {  	[smem:$0x3FC4] =	sst s2  }
0x8f: {  	_ = 	snop  }
0x90: {  	s2 =	sld [smem:$0x3FD0];
	_ =	sdelay $0x2  }
0x91: {  	s4 =	simm.s32 $0xA;
	s5 =	simm.s32 $0x10;
	s15 =	sld [smem:$0x3FC9]  }
0x92: {  	[smem:s5], [sflag:s4] =	dma.local [hbm:s2], $0x1  }
0x93: {  	_ =	swait.eq [sflag:s4], $0x1  }
0x94: {  	[sflag:s4] =	ssyncset.done $0x0  }
0x95: {  	s16 =	sld [smem:$0x10];
	[sflag:s4] =	ssyncadd.s32 $0xFFFFFFFF  }
0x96: {  	s17 =	sld [smem:$0x11];
	(tm) =	ssettm $0x1  }
0x97: {  	s18 =	sld [smem:$0x3FFB];
	_ =	sdelay $0x3  }
0x98: {  	_ =	strace s18  }
0x99: {  	s5 =	sld [smem:$0x3FFC];
	_ =	sdelay $0x3  }
0x9a: {  	_ =	strace s5  }
0x9b: {  	s5 =	sld [smem:$0x3FFD];
	_ =	sdelay $0x3  }
0x9c: {  	_ =	strace s5  }
0x9d: {  	_ =	strace $0x8FFFFFFF  }
0x9e: {  	s19 =	sld [smem:$0x3FDB];
	_ =	sdelay $0x1  }
0x9f: {  	s6 =	simm.s32 $_scs_section_size  }
0xa0: {  	s7 =	simm.s32 $_size__tile_overlayer_lowered;
	s8 =	simm.s32 $_tile_overlayer_lowered  }
0xa1: {  	s22 =	simm.s32 $0x1BFF;
	s21 =	sshll.u32 s8, $0x1;
	s5 =	sadd.s32 s6, s19  }
0xa2: {  	s9 =	simm.s32 $0x0;
	s20 =	sshll.u32 s7, $0x1;
	s7 =	sadd.s32 s21, s5  }
0xa3: {  	[timem:s9], [sflag:s22] =	dma.local [hbm:s7], s20  }
0xa4: {  	_ =	swait.ge [sflag:s22], s20  }
0xa5: {  	s6 =	ssub.s32 $0x0, s20;
	[sflag:s22] =	ssyncset.done $0x0  }
0xa6: {  	[sflag:s22] =	ssyncadd.s32 s6;
	_ =	sdelay $0x1  }
0xa7: {  	s23 =	simm.s32 $0x1B8B  }
0xa8: {  	_ =	swait.ge [sflag:s23], $0x1  }
0xa9: {  	[sflag:s23] =	ssyncset.done $0x0  }
0xaa: {  	s25 =	simm.s32 $0x1B8E;
	s24 =	sld [smem:$0x3FFE];
	[sflag:s23] =	ssyncadd.s32 $0xFFFFFFFF  }
0xab: {  	s26 =	simm.s32 $execute0_lowered;
	[smem:$0x3FD2] =	sst s25  }
0xac: {  	s7 =	sshll.u32 s26, $0x1;
	_ =	strace $0x80000046;
	[dreg:$0x1] =	wrdreg $0xFFFFFFFF  }
0xad: {  	s28 =	simm.s32 $_size_execute0_lowered;
	s5 =	sadd.s32 s5, s7;
	[dreg:$0x0] =	wrdreg $0x0  }
0xae: {  	s7 =	sshll.u32 s28, $0x1;
	[dreg:$0x2] =	wrdreg s5  }
0xaf: {  	[dreg:$0x3] =	wrdreg s7  }
0xb0: {  	[dreg:$0x4] =	wrdreg $0xC0  }
0xb1: {  	_ =	task [dreg:s9], $0x5FFFF  }
0xb2: {  	[dreg:$0x1] =	wrdreg $0xFFFFFFFF  }
0xb3: {  	[dreg:$0x0] =	wrdreg $0x60  }
0xb4: {  	[dreg:$0x2] =	wrdreg s15  }
0xb5: {  	[dreg:$0x3] =	wrdreg s24  }
0xb6: {  	[dreg:$0x4] =	wrdreg s16  }
0xb7: {  	[dreg:$0x5] =	wrdreg s17  }
0xb8: {  	[dreg:$0x6] =	wrdreg $0x9  }
0xb9: {  	_ =	task.clear_ibuf [dreg:s9], $0x7FFFF;
	_ =	strace $0x90000046  }
0xba: {  	s29 =	simm.s32 $0x9;
	_ =	strace $0x80000048  }
0xbb: {  	_ =	swait.ge [sflag:s29], $0x1  }
0xbc: {  	[sflag:s29] =	ssyncadd.s32 $0xFFFFFFFF  }
0xbd: {  	_ =	strace $0x90000048  }
0xbe: {  	_ =	sfence  }
0xbf: {  	s30 =	sld [smem:$0x0];
	_ =	sdelay $0x2  }
0xc0: {  	s31 =	sshll.u32 s1, $0xD;
	s1 =	sshrl.u32 s1, $0x2  }
0xc1: {  	s3 =	sand.u32 $0x4000, s31;
	s1 =	sadd.s32 s1, s30  }
0xc2: {  	s0 =	sor.u32 s3, s0;
	s1 =	sshll.u32 s1, $0x11  }
0xc3: {  	s0 =	sor.u32 s1, s0  }
0xc4: {  	s0 =	sadd.s32 $0x8F2B, s0  }
0xc5: {  	[sflag:s0] =	ssyncadd.remote.s32 $0x1  }
0xc6: {  	_ =	sfence.sel $0xFFFF  }
0xc7: {  	[dreg:$0x0] =	wrdreg $0xFFFFFFFF;
	(pc) =	sbr.abs _section_cstart, $3  }
0xc8: {  	[dreg:$0x1] =	wrdreg $0xFFFFFFFF  }
0xc9: {  	_ =	task.clear_ibuf [dreg:s9], $0x2FFFF;
	_ =	strace $0x9FFFFFFF  }
0xca: {  	(tm) =	ssettm $0x7FFFFFFF  }
0xcb: {  	_ =	shalt  }
tec
execute0_lowered:
.L_overlay_start_1:
0x0: {  	(tag) =	ssettag $0x1  }
0x1: {  	s6 =	rddreg [dreg:$0x0]  }
0x2: {  	v0 =	vlaneseq.u32;
	s5 =	rddreg [dreg:$0x1]  }
0x3: {  	s0 =	rddreg [dreg:$0x2];
	v1 =	vmul.u32 $0x2, v0  }
0x4: {  	s7 =	rddreg [dreg:$0x3];
	s3 =	simm.s32 $0x0;
	v61 =	vmul.u32 $0x32, v0  }
0x5: {  	s2 =	srdreg.scid;
	[smem:$0x7FF] =	sst s3;
	[tilespmem:$0x1FCC0] =	vst v1;
	v33 =	vor.u32 $0x1, v1  }
0x6: {  	s4 =	sand.u32 $0x1, s2;
	s2 =	rddreg [dreg:$0x4];
	v41 =	vadd.s32 $0x2B, v61;
	_ =	strace $0x80000047;
	[tilespmem:$0x1FCD0] =	vst v33  }
0x7: {  	v36 =	vadd.s32 $0x2A, v61;
	[tilespmem:$0x1FCE0] =	vst v41  }
0x8: {  	v45 =	vadd.s32 $0x2C, v61;
	[tilespmem:$0x1FCF0] =	vst v36  }
0x9: {  	v21 =	vadd.s32 $0x26, v61;
	[tilespmem:$0x1FD00] =	vst v45  }
0xa: {  	v28 =	vadd.s32 $0x27, v61;
	[tilespmem:$0x1FD10] =	vst v21  }
0xb: {  	v48 =	vadd.s32 $0x28, v61;
	[tilespmem:$0x1FD20] =	vst v28  }
0xc: {  	v12 =	vadd.s32 $0x22, v61;
	[tilespmem:$0x1FD30] =	vst v48  }
0xd: {  	v20 =	vadd.s32 $0x23, v61;
	[tilespmem:$0x1FD40] =	vst v12  }
0xe: {  	v29 =	vadd.s32 $0x24, v61;
	[tilespmem:$0x1FD50] =	vst v20  }
0xf: {  	v16 =	vadd.s32 $0x1F, v61;
	[tilespmem:$0x1FD60] =	vst v29  }
0x10: {  	v13 =	vadd.s32 $0x1E, v61;
	[tilespmem:$0x1FD70] =	vst v16  }
0x11: {  	v10 =	vadd.s32 $0x1A, v61;
	[tilespmem:$0x1FD80] =	vst v13  }
0x12: {  	v11 =	vadd.s32 $0x1B, v61;
	[tilespmem:$0x1FD90] =	vst v10  }
0x13: {  	v25 =	vadd.s32 $0x1D, v61;
	[tilespmem:$0x1FDA0] =	vst v11  }
0x14: {  	v63 =	vadd.s32 $0x20, v61;
	[tilespmem:$0x1FDB0] =	vst v25  }
0x15: {  	v18 =	vadd.s32 $0x1C, v61;
	[tilespmem:$0x1FDC0] =	vst v63  }
0x16: {  	v14 =	vadd.s32 $0x16, v61;
	[tilespmem:$0x1FDD0] =	vst v18  }
0x17: {  	v15 =	vadd.s32 $0x17, v61;
	[tilespmem:$0x1FDE0] =	vst v14  }
0x18: {  	v19 =	vadd.s32 $0x13, v61;
	[tilespmem:$0x1FDF0] =	vst v15  }
0x19: {  	v24 =	vadd.s32 $0x18, v61;
	[tilespmem:$0x1FE00] =	vst v19  }
0x1a: {  	v62 =	vadd.s32 $0x14, v61;
	[tilespmem:$0x1FE10] =	vst v24  }
0x1b: {  	v17 =	vadd.s32 $0x12, v61;
	[tilespmem:$0x1FE20] =	vst v62  }
0x1c: {  	v26 =	vadd.s32 $0xF, v61;
	[tilespmem:$0x1FE30] =	vst v17  }
0x1d: {  	v35 =	vadd.s32 $0x10, v61;
	[tilespmem:$0x1FE40] =	vst v26  }
0x1e: {  	v37 =	vadd.s32 $0x11, v61;
	[tilespmem:$0x1FE50] =	vst v35  }
0x1f: {  	v38 =	vadd.s32 $0x15, v61;
	[tilespmem:$0x1FE60] =	vst v37  }
0x20: {  	v23 =	vadd.s32 $0xA, v61;
	[tilespmem:$0x1FE70] =	vst v38  }
0x21: {  	v27 =	vadd.s32 $0xB, v61;
	[tilespmem:$0x1FE80] =	vst v23  }
0x22: {  	v39 =	vadd.s32 $0xC, v61;
	[tilespmem:$0x1FE90] =	vst v27  }
0x23: {  	v40 =	vadd.s32 $0xD, v61;
	[tilespmem:$0x1FEA0] =	vst v39  }
0x24: {  	v30 =	vadd.s32 $0x6, v61;
	[tilespmem:$0x1FEB0] =	vst v40  }
0x25: {  	v31 =	vadd.s32 $0x7, v61;
	[tilespmem:$0x1FEC0] =	vst v30  }
0x26: {  	v42 =	vadd.s32 $0x8, v61;
	[tilespmem:$0x1FED0] =	vst v31  }
0x27: {  	v43 =	vadd.s32 $0x2, v61;
	[tilespmem:$0x1FEE0] =	vst v42  }
0x28: {  	v44 =	vadd.s32 $0x3, v61;
	[tilespmem:$0x1FEF0] =	vst v43  }
0x29: {  	v34 =	vadd.s32 $0x19, v61;
	[tilespmem:$0x1FF00] =	vst v44  }
0x2a: {  	v46 =	vadd.s32 $0x4, v61;
	[tilespmem:$0x1FF10] =	vst v34  }
0x2b: {  	v47 =	vadd.s32 $0x5, v61;
	[tilespmem:$0x1FF20] =	vst v46  }
0x2c: {  	v49 =	vor.u32 $0x1, v61;
	[tilespmem:$0x1FF30] =	vst v47  }
0x2d: {  	v56 =	vadd.s32 $0x2E, v61;
	[tilespmem:$0x1FF40] =	vst v49  }
0x2e: {  	v52 =	vadd.s32 $0x21, v61;
	[tilespmem:$0x1FF50] =	vst v56  }
0x2f: {  	v53 =	vadd.s32 $0x25, v61;
	[tilespmem:$0x1FF60] =	vst v52  }
0x30: {  	s1 =	stileid.u32;
	v55 =	vadd.s32 $0x2D, v61;
	[tilespmem:$0x1FF70] =	vst v53  }
0x31: {  	s13 =	simm.s32 $0x6E00;
	s14 =	simm.s32 $0x6F00;
	s15 =	simm.s32 $0x1;
	v54 =	vadd.s32 $0x29, v61;
	[tilespmem:$0x1FF80] =	vst v55  }
0x32: {  	s16 =	simm.s32 $0x7300;
	s17 =	simm.s32 $0x0;
	s8 =	sshll.u32 s1, $0x1;
	v57 =	vadd.s32 $0x2F, v61;
	[tilespmem:$0x1FF90] =	vst v54  }
0x33: {  	s8 =	sor.u32 s4, s8;
	s11 =	ssub.s32 $0x2, s4;
	s4 =	sadd.s32 $0x19E00, s5;
	v60 =	vadd.s32 $0x31, v61;
	[tilespmem:$0x1FFA0] =	vst v57  }
0x34: {  	v50 =	vadd.s32 $0x9, v61;
	s9 =	smul.u32 $0xC80, s8;
	s10 =	sshll.u32 s8, $0x7;
	s31 =	sshrl.u32 s11, $0x1;
	[tilespmem:$0x1FFB0] =	vst v60  }
0x35: {  	s8 =	sshll.u32 s8, $0x6;
	v58 =	vadd.s32 $0x30, v61;
	s12 =	sadd.s32 s10, s5;
	s11 =	ssub.s32 s11, s31;
	[tilespmem:$0x1FFC0] =	vst v50  }
0x36: {  	v59 =	vadd.s32 $0xE, v61;
	s6 =	sadd.s32 s6, s8;
	s7 =	sadd.s32 s7, s10;
	s10 =	simm.s32 $0x200;
	[tilespmem:$0x1FFD0] =	vst v58  }
0x37: {  	[tilespmem:$0x1FFE0] =	vst v59;
	s9 =	sadd.s32 s9, s5;
	s8 =	sadd.s32 $0x1A000, s12;
	s12 =	simm.s32 $0x6600  }
0x38: {  	[tilespmem:$0x1FFF0] =	vst v61;
	s5 =	sadd.s32 $0xE00, s9;
	s9 =	smax.u32 s11, $0x1;
	s11 =	simm.s32 $0x2  }
.LBB2_1:
0x39: {  	[tilespmem:s10], [sflag:$0x1] =	stream.linear.gather [hbm4b:s5+s3], $0x6400, $0x38;
	[tilespmem:$0x7700] =	vst v63  }
0x3a: {  	_ = 	snop  }
0x3b: {  	[tilespmem:s3], [sflag:$0x2] =	stream.linear.gather [hbm4b:s6+s3], $0x200, $0x38;
	[tilespmem:$0x7700] =	vst v63  }
0x3c: {  	_ =	swait.ge [sflag:s11], $0x200  }
0x3d: {  	[sflag:s11] =	ssyncset.done $0x0  }
0x3e: {  	[sflag:s11] =	ssyncadd.s32 $0xFFFFFE00  }
0x3f: {  	[tilespmem:s12], [sflag:$0x2] =	stream.linear.gather [hbm4b:s0+s3], $0x800, $0x38;
	[tilespmem:$0x7700] =	vst v63  }
0x40: {  	_ =	swait.ge [sflag:s11], $0x800  }
0x41: {  	[sflag:s11] =	ssyncset.done $0x0  }
0x42: {  	[sflag:s11] =	ssyncadd.s32 $0xFFFFF800  }
0x43: {  	[tilespmem:s13], [sflag:$0x2] =	stream.linear.gather [hbm4b:s4+s3], $0x100, $0x38;
	[tilespmem:$0x7700] =	vst v63  }
0x44: {  	_ =	swait.ge [sflag:s11], $0x100  }
0x45: {  	[sflag:s11] =	ssyncset.done $0x0  }
0x46: {  	[sflag:s11] =	ssyncadd.s32 $0xFFFFFF00  }
0x47: {  	v0 =	vld [tilespmem:s3+$0x0];
	_ =	sdelay $0x4  }
0x48: {  	v0 =	vshll.u32 v0, $0x1  }
0x49: {  	v2 =	vor.u32 $0x1, v0;
	_ =	sdelay $0x2  }
0x4a: {  	s18 =	simm.s32 $0x10  }
0x4b: {  	v1 =	vld [tilespmem:s18+$0x0]  }
0x4c: {  	v4 =	vld.idx.msk [tilespmem:v2+s12+$0x0], $0xffff  }
0x4d: {  	v2 =	vld [tilespmem:$0x1FCC0];
	_ =	sdelay $0x3  }
0x4e: {  	s31 =	simm.s32 $0x20;
	v3 =	vld.idx.msk [tilespmem:v0+s12+$0x0], $0xffff;
	v0 =	vshll.u32 v1, $0x1  }
0x4f: {  	v1 =	vld [tilespmem:s31+$0x0];
	v5 =	vor.u32 $0x1, v0;
	v6 =	vor.u32 s3, v2;
	_ =	sdelay $0x3  }
0x50: {  	s19 =	simm.s32 $0x20;
	v0 =	vld.idx.msk [tilespmem:v0+s12+$0x0], $0xffff;
	v7 =	vmax.f32 v3, $0.0e+00  }
0x51: {  	s20 =	simm.s32 $0x60;
	s21 =	simm.s32 $0x30;
	s18 =	simm.s32 $0x40;
	v3 =	vshll.u32 v1, $0x1;
	v2 =	vor.u32 s3, v33;
	v1 =	vld.idx.msk [tilespmem:v5+s12+$0x0], $0xffff;
	v4 =	vmax.f32 v4, $0.0e+00;
	[tilespmem:v6+s14+$0x0] =	vst.idx.msk $0xffff, v7  }
.LBB2_2:
0x52: {  	v7 =	vld [tilespmem:$0x1FCC0];
	_ =	sdelay $0x4  }
0x53: {  	v5 =	vld [tilespmem:s21+$0x0];
	p0 =	sne.s32 s20, $0x3E0;
	v6 =	vor.u32 $0x1, v3;
	v7 =	vor.u32 s19, v7  }
.Ltmp0:
0x54: {  	_ = 	snop;
	(pc) =	sbr.rel @p0 .LBB2_2-.Ltmp0, $4  }
0x55: {  	_ = 	snop  }
0x56: {  	[tilespmem:v2+s14+$0x0] =	vst.idx.msk $0xffff, v4  }
0x57: {  	s22 =	smov.u32 s20;
	s20 =	sadd.s32 $0x20, s20;
	v8 =	vmax.f32 v0, $0.0e+00;
	v0 =	vld.idx.msk [tilespmem:v3+s12+$0x0], $0xffff  }
0x58: {  	v2 =	vor.u32 s19, v33;
	s21 =	sadd.s32 $0x10, s21;
	v4 =	vmax.f32 v1, $0.0e+00;
	s19 =	smov.u32 s18;
	s18 =	smov.u32 s22;
	v3 =	vshll.u32 v5, $0x1;
	v1 =	vld.idx.msk [tilespmem:v6+s12+$0x0], $0xffff;
	[tilespmem:v7+s14+$0x0] =	vst.idx.msk $0xffff, v8  }
0x59: {  	v32 =	vld [tilespmem:$0x1FCC0];
	_ =	sdelay $0x1  }
0x5a: {  	v5 =	vor.u32 $0x1, v3;
	_ =	sdelay $0x2  }
0x5b: {  	v6 =	vor.u32 s19, v32  }
0x5c: {  	v7 =	vor.u32 s19, v33;
	v3 =	vld.idx.msk [tilespmem:v3+s12+$0x0], $0xffff  }
0x5d: {  	v5 =	vld.idx.msk [tilespmem:v5+s12+$0x0], $0xffff;
	v8 =	vor.u32 s18, v32  }
0x5e: {  	v9 =	vor.u32 s18, v33  }
0x5f: {  	[tilespmem:v2+s14+$0x0] =	vst.idx.msk $0xffff, v4;
	v0 =	vmax.f32 v0, $0.0e+00  }
0x60: {  	v1 =	vmax.f32 v1, $0.0e+00;
	[tilespmem:v6+s14+$0x0] =	vst.idx.msk $0xffff, v0  }
0x61: {  	v0 =	vmax.f32 v3, $0.0e+00;
	[tilespmem:v7+s14+$0x0] =	vst.idx.msk $0xffff, v1  }
0x62: {  	v1 =	vmax.f32 v5, $0.0e+00;
	[tilespmem:v8+s14+$0x0] =	vst.idx.msk $0xffff, v0  }
0x63: {  	s18 =	simm.s32 $0x0;
	[tilespmem:v9+s14+$0x0] =	vst.idx.msk $0xffff, v1  }
0x64: {  	[hbm4b:s7+s18] =	stream.linear.scatter [tilespmem:s14], [sflag:$0x2], $0x400, $0x38;
	[tilespmem:$0x7700] =	vst v63  }
0x65: {  	_ =	swait.ge [sflag:s11], $0x400  }
0x66: {  	v0 =	vadd.s32 s18, v56;
	[sflag:s11] =	ssyncset.done $0x0  }
0x67: {  	[sflag:s11] =	ssyncadd.s32 $0xFFFFFC00  }
0x68: {  	_ =	swait.ge [sflag:s15], $0x6400  }
0x69: {  	[sflag:s15] =	ssyncset.done $0x0  }
0x6a: {  	[sflag:s15] =	ssyncadd.s32 $0xFFFF9C00  }
0x6b: {  	v0 =	vld.idx.msk [tilespmem:v0+s10+$0x0], $0xffff  }
0x6c: {  	v1 =	vadd.s32 s18, v57;
	_ =	sdelay $0x3  }
0x6d: {  	[tilespmem:$0x1F360] =	vst v0  }
0x6e: {  	v0 =	vld.idx.msk [tilespmem:v1+s10+$0x0], $0xffff  }
0x6f: {  	v2 =	vadd.s32 s18, v58;
	_ =	sdelay $0x3  }
0x70: {  	[tilespmem:$0x1F370] =	vst v0  }
0x71: {  	v0 =	vld.idx.msk [tilespmem:v2+s10+$0x0], $0xffff  }
0x72: {  	v3 =	vadd.s32 s18, v60;
	_ =	sdelay $0x3  }
0x73: {  	[tilespmem:$0x1F3A0] =	vst v0  }
0x74: {  	v0 =	vld.idx.msk [tilespmem:v3+s10+$0x0], $0xffff  }
0x75: {  	v4 =	vadd.s32 s18, v36;
	_ =	sdelay $0x3  }
0x76: {  	[tilespmem:$0x1F3B0] =	vst v0  }
0x77: {  	v0 =	vld.idx.msk [tilespmem:v4+s10+$0x0], $0xffff  }
0x78: {  	v5 =	vadd.s32 s18, v41;
	_ =	sdelay $0x3  }
0x79: {  	[tilespmem:$0x1F320] =	vst v0  }
0x7a: {  	v0 =	vld.idx.msk [tilespmem:v5+s10+$0x0], $0xffff  }
0x7b: {  	v6 =	vadd.s32 s18, v45;
	_ =	sdelay $0x3  }
0x7c: {  	[tilespmem:$0x1F330] =	vst v0  }
0x7d: {  	v0 =	vld.idx.msk [tilespmem:v6+s10+$0x0], $0xffff  }
0x7e: {  	v1 =	vadd.s32 s18, v55;
	_ =	sdelay $0x3  }
0x7f: {  	[tilespmem:$0x1F380] =	vst v0  }
0x80: {  	v0 =	vld.idx.msk [tilespmem:v1+s10+$0x0], $0xffff  }
0x81: {  	v4 =	vadd.s32 s18, v48;
	_ =	sdelay $0x3  }
0x82: {  	v7 =	vadd.s32 s18, v21;
	[tilespmem:$0x1F390] =	vst v0  }
0x83: {  	v3 =	vadd.s32 s18, v28;
	v0 =	vld.idx.msk [tilespmem:v4+s10+$0x0], $0xffff  }
0x84: {  	v5 =	vadd.s32 s18, v54;
	_ =	sdelay $0x2  }
0x85: {  	v6 =	vadd.s32 s18, v12;
	v12 =	vld.idx.msk [tilespmem:v7+s10+$0x0], $0xffff  }
0x86: {  	v8 =	vld.idx.msk [tilespmem:v3+s10+$0x0], $0xffff;
	[tilespmem:$0x1F340] =	vst v0  }
0x87: {  	v0 =	vld.idx.msk [tilespmem:v5+s10+$0x0], $0xffff  }
0x88: {  	v3 =	vadd.s32 s18, v53;
	_ =	sdelay $0x3  }
0x89: {  	v1 =	vadd.s32 s18, v20;
	[tilespmem:$0x1F350] =	vst v0  }
0x8a: {  	v7 =	vadd.s32 s18, v29;
	v0 =	vld.idx.msk [tilespmem:v3+s10+$0x0], $0xffff  }
0x8b: {  	v4 =	vadd.s32 s18, v13  }
0x8c: {  	v5 =	vadd.s32 s18, v16  }
0x8d: {  	v16 =	vld.idx.msk [tilespmem:v6+s10+$0x0], $0xffff;
	v6 =	vadd.s32 s18, v63  }
0x8e: {  	v13 =	vld.idx.msk [tilespmem:v1+s10+$0x0], $0xffff;
	v1 =	vadd.s32 s18, v52  }
0x8f: {  	v2 =	vld.idx.msk [tilespmem:v7+s10+$0x0], $0xffff;
	v7 =	vadd.s32 s18, v10;
	[tilespmem:$0x1F310] =	vst v0  }
0x90: {  	v3 =	vadd.s32 s18, v11;
	v10 =	vld.idx.msk [tilespmem:v4+s10+$0x0], $0xffff  }
0x91: {  	v9 =	vadd.s32 s18, v15;
	v11 =	vld.idx.msk [tilespmem:v5+s10+$0x0], $0xffff  }
0x92: {  	v4 =	vadd.s32 s18, v18;
	v5 =	vadd.s32 s18, v25;
	v25 =	vld.idx.msk [tilespmem:v6+s10+$0x0], $0xffff  }
0x93: {  	v0 =	vld.idx.msk [tilespmem:v1+s10+$0x0], $0xffff  }
0x94: {  	v33 =	vmov v18;
	v6 =	vadd.s32 s18, v14;
	v18 =	vld.idx.msk [tilespmem:v7+s10+$0x0], $0xffff  }
0x95: {  	v14 =	vadd.s32 s18, v24;
	v7 =	vld.idx.msk [tilespmem:v3+s10+$0x0], $0xffff  }
0x96: {  	v41 =	vmov v24;
	v15 =	vadd.s32 s18, v34;
	v24 =	vld.idx.msk [tilespmem:v9+s10+$0x0], $0xffff  }
0x97: {  	v9 =	vadd.s32 s18, v38;
	v3 =	vld.idx.msk [tilespmem:v4+s10+$0x0], $0xffff  }
0x98: {  	v4 =	vadd.s32 s18, v17;
	v1 =	vld.idx.msk [tilespmem:v5+s10+$0x0], $0xffff  }
0x99: {  	v5 =	vadd.s32 s18, v19;
	v19 =	vld.idx.msk [tilespmem:v6+s10+$0x0], $0xffff  }
0x9a: {  	v22 =	vadd.s32 s18, v62;
	v45 =	vmov v17;
	v17 =	vld.idx.msk [tilespmem:v14+s10+$0x0], $0xffff  }
0x9b: {  	v14 =	vadd.s32 s18, v59;
	v6 =	vld.idx.msk [tilespmem:v15+s10+$0x0], $0xffff  }
0x9c: {  	v48 =	vmov v38;
	v15 =	vadd.s32 s18, v26;
	v38 =	vld.idx.msk [tilespmem:v9+s10+$0x0], $0xffff  }
0x9d: {  	v9 =	vadd.s32 s18, v27;
	v26 =	vld.idx.msk [tilespmem:v4+s10+$0x0], $0xffff  }
0x9e: {  	v4 =	vadd.s32 s18, v35;
	v35 =	vld.idx.msk [tilespmem:v5+s10+$0x0], $0xffff  }
0x9f: {  	v5 =	vadd.s32 s18, v37;
	v37 =	vld.idx.msk [tilespmem:v22+s10+$0x0], $0xffff  }
0xa0: {  	v22 =	vadd.s32 s18, v23;
	v14 =	vld.idx.msk [tilespmem:v14+s10+$0x0], $0xffff  }
0xa1: {  	v23 =	vadd.s32 s18, v39;
	v15 =	vld.idx.msk [tilespmem:v15+s10+$0x0], $0xffff  }
0xa2: {  	v27 =	vadd.s32 s18, v40;
	v9 =	vld.idx.msk [tilespmem:v9+s10+$0x0], $0xffff  }
0xa3: {  	v39 =	vld.idx.msk [tilespmem:v4+s10+$0x0], $0xffff;
	v4 =	vadd.s32 s18, v30  }
0xa4: {  	v40 =	vld.idx.msk [tilespmem:v5+s10+$0x0], $0xffff;
	v5 =	vadd.s32 s18, v31  }
0xa5: {  	v22 =	vld.idx.msk [tilespmem:v22+s10+$0x0], $0xffff;
	v30 =	vadd.s32 s18, v42  }
0xa6: {  	v31 =	vadd.s32 s18, v50;
	v42 =	vld.idx.msk [tilespmem:v23+s10+$0x0], $0xffff  }
0xa7: {  	v23 =	vadd.s32 s18, v43;
	v43 =	vld.idx.msk [tilespmem:v27+s10+$0x0], $0xffff  }
0xa8: {  	v27 =	vadd.s32 s18, v44;
	v4 =	vld.idx.msk [tilespmem:v4+s10+$0x0], $0xffff  }
0xa9: {  	v44 =	vadd.s32 s18, v46;
	v5 =	vld.idx.msk [tilespmem:v5+s10+$0x0], $0xffff  }
0xaa: {  	v46 =	vadd.s32 s18, v47;
	v30 =	vld.idx.msk [tilespmem:v30+s10+$0x0], $0xffff  }
0xab: {  	v47 =	vadd.s32 s18, v61;
	v31 =	vld.idx.msk [tilespmem:v31+s10+$0x0], $0xffff  }
0xac: {  	v32 =	vmov v49;
	v49 =	vadd.s32 s18, v49;
	v23 =	vld.idx.msk [tilespmem:v23+s10+$0x0], $0xffff  }
0xad: {  	v51 =	vshll.u32 v14, $0x1;
	v27 =	vld.idx.msk [tilespmem:v27+s10+$0x0], $0xffff  }
0xae: {  	v14 =	vld.idx.msk [tilespmem:v44+s10+$0x0], $0xffff  }
0xaf: {  	v44 =	vshll.u32 v15, $0x1;
	v15 =	vld.idx.msk [tilespmem:v46+s10+$0x0], $0xffff  }
0xb0: {  	v46 =	vld.idx.msk [tilespmem:v47+s10+$0x0], $0xffff  }
0xb1: {  	v47 =	vshll.u32 v9, $0x1;
	v9 =	vld.idx.msk [tilespmem:v49+s10+$0x0], $0xffff  }
0xb2: {  	v49 =	vshll.u32 v4, $0x1;
	v4 =	vld.idx.msk [tilespmem:v51+s13+$0x0], $0xffff;
	_ =	sdelay $0x4  }
0xb3: {  	[tilespmem:$0x1F510] =	vst v4  }
0xb4: {  	v4 =	vld.idx.msk [tilespmem:v44+s13+$0x0], $0xffff  }
0xb5: {  	v22 =	vshll.u32 v22, $0x1;
	_ =	sdelay $0x3  }
0xb6: {  	[tilespmem:$0x1F520] =	vst v4  }
0xb7: {  	v4 =	vld.idx.msk [tilespmem:v22+s13+$0x0], $0xffff;
	_ =	sdelay $0x4  }
0xb8: {  	[tilespmem:$0x1F480] =	vst v4  }
0xb9: {  	v4 =	vld.idx.msk [tilespmem:v47+s13+$0x0], $0xffff;
	_ =	sdelay $0x4  }
0xba: {  	[tilespmem:$0x1F490] =	vst v4  }
0xbb: {  	v4 =	vshll.u32 v23, $0x1;
	v23 =	vshll.u32 v27, $0x1;
	v27 =	vld.idx.msk [tilespmem:v49+s13+$0x0], $0xffff  }
0xbc: {  	v28 =	vmov v52;
	v52 =	vshll.u32 v5, $0x1;
	_ =	sdelay $0x3  }
0xbd: {  	[tilespmem:$0x1F3E0] =	vst v27  }
0xbe: {  	v27 =	vshll.u32 v14, $0x1;
	v14 =	vld.idx.msk [tilespmem:v52+s13+$0x0], $0xffff  }
0xbf: {  	v21 =	vmov v53;
	v53 =	vshll.u32 v30, $0x1;
	_ =	sdelay $0x3  }
0xc0: {  	[tilespmem:$0x1F3F0] =	vst v14  }
0xc1: {  	v14 =	vld.idx.msk [tilespmem:v53+s13+$0x0], $0xffff  }
0xc2: {  	v5 =	vmov v56;
	v56 =	vshll.u32 v31, $0x1;
	_ =	sdelay $0x3  }
0xc3: {  	[tilespmem:$0x1F4A0] =	vst v14  }
0xc4: {  	v30 =	vld.idx.msk [tilespmem:v56+s13+$0x0], $0xffff;
	_ =	sdelay $0x4  }
0xc5: {  	[tilespmem:$0x1F4B0] =	vst v30  }
0xc6: {  	v31 =	vld.idx.msk [tilespmem:v4+s13+$0x0], $0xffff;
	_ =	sdelay $0x4  }
0xc7: {  	[tilespmem:$0x1F3C0] =	vst v31  }
0xc8: {  	v14 =	vshll.u32 v46, $0x1;
	v46 =	vor.u32 $0x1, v4;
	v4 =	vld.idx.msk [tilespmem:v23+s13+$0x0], $0xffff;
	_ =	sdelay $0x4  }
0xc9: {  	[tilespmem:$0x1F3D0] =	vst v4  }
0xca: {  	v4 =	vld.idx.msk [tilespmem:v27+s13+$0x0], $0xffff  }
0xcb: {  	v15 =	vshll.u32 v15, $0x1;
	_ =	sdelay $0x3  }
0xcc: {  	[tilespmem:$0x1F400] =	vst v4  }
0xcd: {  	v31 =	vld.idx.msk [tilespmem:v15+s13+$0x0], $0xffff;
	_ =	sdelay $0x1  }
0xce: {  	v30 =	vshll.u32 v9, $0x1;
	_ =	sdelay $0x2  }
0xcf: {  	[tilespmem:$0x1F410] =	vst v31  }
0xd0: {  	v31 =	vld.idx.msk [tilespmem:v14+s13+$0x0], $0xffff  }
0xd1: {  	v9 =	vmov v55;
	v55 =	vld.idx.msk [tilespmem:v30+s13+$0x0], $0xffff  }
0xd2: {  	v4 =	vmovc v54;
	v54 =	vor.u32 $0x1, v14;
	v14 =	vmov v57;
	v57 =	vor.u32 $0x1, v30;
	v30 =	vld.idx.msk [tilespmem:v46+s13+$0x0], $0xffff  }
0xd3: {  	v23 =	vor.u32 $0x1, v23;
	_ =	sdelay $0x3  }
0xd4: {  	[tilespmem:$0x1F420] =	vst v30  }
0xd5: {  	v30 =	vmov v60;
	v60 =	vld.idx.msk [tilespmem:v23+s13+$0x0], $0xffff  }
0xd6: {  	v23 =	vor.u32 $0x1, v27;
	v27 =	vld.idx.msk [tilespmem:v54+s13+$0x0], $0xffff;
	_ =	sdelay $0x1  }
0xd7: {  	v49 =	vor.u32 $0x1, v49;
	_ =	sdelay $0x2  }
0xd8: {  	[tilespmem:$0x1F430] =	vst v27  }
0xd9: {  	v46 =	vor.u32 $0x1, v52;
	v52 =	vor.u32 $0x1, v15;
	v15 =	vmov v58;
	v58 =	vld.idx.msk [tilespmem:v57+s13+$0x0], $0xffff  }
0xda: {  	v57 =	vor.u32 $0x1, v22;
	v22 =	vld.idx.msk [tilespmem:v49+s13+$0x0], $0xffff;
	_ =	sdelay $0x4  }
0xdb: {  	[tilespmem:$0x1F440] =	vst v22  }
0xdc: {  	v22 =	vld.idx.msk [tilespmem:v46+s13+$0x0], $0xffff;
	_ =	sdelay $0x4  }
0xdd: {  	[tilespmem:$0x1F450] =	vst v22  }
0xde: {  	v22 =	vld.idx.msk [tilespmem:v23+s13+$0x0], $0xffff;
	_ =	sdelay $0x4  }
0xdf: {  	[tilespmem:$0x1F460] =	vst v22  }
0xe0: {  	v22 =	vld.idx.msk [tilespmem:v57+s13+$0x0], $0xffff  }
0xe1: {  	v47 =	vor.u32 $0x1, v47;
	_ =	sdelay $0x3  }
0xe2: {  	v54 =	vld.idx.msk [tilespmem:v52+s13+$0x0], $0xffff;
	[tilespmem:$0x1F4C0] =	vst v22  }
0xe3: {  	v22 =	vld.idx.msk [tilespmem:v47+s13+$0x0], $0xffff  }
0xe4: {  	v46 =	vor.u32 $0x1, v53;
	_ =	sdelay $0x3  }
0xe5: {  	[tilespmem:$0x1F4D0] =	vst v22  }
0xe6: {  	v22 =	vld.idx.msk [tilespmem:v46+s13+$0x0], $0xffff  }
0xe7: {  	v53 =	vor.u32 $0x1, v56;
	_ =	sdelay $0x3  }
0xe8: {  	[tilespmem:$0x1F4E0] =	vst v22  }
0xe9: {  	v22 =	vld.idx.msk [tilespmem:v53+s13+$0x0], $0xffff  }
0xea: {  	v51 =	vor.u32 $0x1, v51;
	_ =	sdelay $0x3  }
0xeb: {  	[tilespmem:$0x1F4F0] =	vst v22  }
0xec: {  	v22 =	vld.idx.msk [tilespmem:v51+s13+$0x0], $0xffff  }
0xed: {  	v42 =	vshll.u32 v42, $0x1;
	_ =	sdelay $0x3  }
0xee: {  	[tilespmem:$0x1F550] =	vst v22  }
0xef: {  	v22 =	vld.idx.msk [tilespmem:v42+s13+$0x0], $0xffff  }
0xf0: {  	v56 =	vor.u32 $0x1, v44;
	_ =	sdelay $0x3  }
0xf1: {  	[tilespmem:$0x1F530] =	vst v22  }
0xf2: {  	v22 =	vld.idx.msk [tilespmem:v56+s13+$0x0], $0xffff  }
0xf3: {  	v43 =	vshll.u32 v43, $0x1;
	_ =	sdelay $0x3  }
0xf4: {  	[tilespmem:$0x1F560] =	vst v22  }
0xf5: {  	v22 =	vld.idx.msk [tilespmem:v43+s13+$0x0], $0xffff  }
0xf6: {  	v26 =	vshll.u32 v26, $0x1;
	_ =	sdelay $0x3  }
0xf7: {  	[tilespmem:$0x1F540] =	vst v22  }
0xf8: {  	v22 =	vld.idx.msk [tilespmem:v26+s13+$0x0], $0xffff  }
0xf9: {  	v35 =	vshll.u32 v35, $0x1;
	_ =	sdelay $0x3  }
0xfa: {  	[tilespmem:$0x1F570] =	vst v22  }
0xfb: {  	v22 =	vld.idx.msk [tilespmem:v35+s13+$0x0], $0xffff  }
0xfc: {  	v39 =	vshll.u32 v39, $0x1;
	_ =	sdelay $0x3  }
0xfd: {  	[tilespmem:$0x1F580] =	vst v22  }
0xfe: {  	v22 =	vld.idx.msk [tilespmem:v39+s13+$0x0], $0xffff  }
0xff: {  	v40 =	vshll.u32 v40, $0x1;
	_ =	sdelay $0x3  }
0x100: {  	[tilespmem:$0x1F590] =	vst v22  }
0x101: {  	v42 =	vor.u32 $0x1, v42;
	v22 =	vld.idx.msk [tilespmem:v40+s13+$0x0], $0xffff  }
0x102: {  	v26 =	vor.u32 $0x1, v26;
	_ =	sdelay $0x3  }
0x103: {  	v44 =	vld.idx.msk [tilespmem:v42+s13+$0x0], $0xffff;
	[tilespmem:$0x1F5A0] =	vst v22  }
0x104: {  	v43 =	vor.u32 $0x1, v43;
	v22 =	vld.idx.msk [tilespmem:v26+s13+$0x0], $0xffff  }
0x105: {  	v57 =	vor.u32 $0x1, v35;
	_ =	sdelay $0x3  }
0x106: {  	v35 =	vor.u32 $0x1, v39;
	v39 =	vld.idx.msk [tilespmem:v43+s13+$0x0], $0xffff;
	[tilespmem:$0x1F5D0] =	vst v22  }
0x107: {  	v22 =	vld.idx.msk [tilespmem:v57+s13+$0x0], $0xffff;
	_ =	sdelay $0x4  }
0x108: {  	[tilespmem:$0x1F5E0] =	vst v22  }
0x109: {  	v22 =	vld.idx.msk [tilespmem:v35+s13+$0x0], $0xffff  }
0x10a: {  	v19 =	vshll.u32 v19, $0x1;
	_ =	sdelay $0x3  }
0x10b: {  	[tilespmem:$0x1F610] =	vst v22  }
0x10c: {  	v22 =	vld.idx.msk [tilespmem:v19+s13+$0x0], $0xffff  }
0x10d: {  	v40 =	vor.u32 $0x1, v40;
	_ =	sdelay $0x3  }
0x10e: {  	[tilespmem:$0x1F650] =	vst v22  }
0x10f: {  	v22 =	vld.idx.msk [tilespmem:v40+s13+$0x0], $0xffff  }
0x110: {  	v24 =	vshll.u32 v24, $0x1;
	_ =	sdelay $0x3  }
0x111: {  	[tilespmem:$0x1F620] =	vst v22  }
0x112: {  	v22 =	vld.idx.msk [tilespmem:v24+s13+$0x0], $0xffff  }
0x113: {  	v26 =	vshll.u32 v37, $0x1;
	_ =	sdelay $0x3  }
0x114: {  	[tilespmem:$0x1F660] =	vst v22  }
0x115: {  	v22 =	vld.idx.msk [tilespmem:v26+s13+$0x0], $0xffff  }
0x116: {  	v49 =	vshll.u32 v38, $0x1;
	_ =	sdelay $0x3  }
0x117: {  	[tilespmem:$0x1F690] =	vst v22  }
0x118: {  	v22 =	vld.idx.msk [tilespmem:v49+s13+$0x0], $0xffff  }
0x119: {  	v18 =	vshll.u32 v18, $0x1;
	_ =	sdelay $0x3  }
0x11a: {  	[tilespmem:$0x1F6A0] =	vst v22  }
0x11b: {  	v22 =	vld.idx.msk [tilespmem:v18+s13+$0x0], $0xffff  }
0x11c: {  	v19 =	vor.u32 $0x1, v19;
	_ =	sdelay $0x3  }
0x11d: {  	[tilespmem:$0x1F750] =	vst v22  }
0x11e: {  	v19 =	vld.idx.msk [tilespmem:v19+s13+$0x0], $0xffff  }
0x11f: {  	v7 =	vshll.u32 v7, $0x1;
	_ =	sdelay $0x3  }
0x120: {  	[tilespmem:$0x1F6D0] =	vst v19  }
0x121: {  	v19 =	vld.idx.msk [tilespmem:v7+s13+$0x0], $0xffff  }
0x122: {  	v24 =	vor.u32 $0x1, v24;
	_ =	sdelay $0x3  }
0x123: {  	[tilespmem:$0x1F760] =	vst v19  }
0x124: {  	v19 =	vld.idx.msk [tilespmem:v24+s13+$0x0], $0xffff  }
0x125: {  	v26 =	vor.u32 $0x1, v26;
	_ =	sdelay $0x3  }
0x126: {  	[tilespmem:$0x1F6E0] =	vst v19  }
0x127: {  	v19 =	vld.idx.msk [tilespmem:v26+s13+$0x0], $0xffff  }
0x128: {  	v37 =	vor.u32 $0x1, v49;
	_ =	sdelay $0x3  }
0x129: {  	[tilespmem:$0x1F710] =	vst v19  }
0x12a: {  	v19 =	vld.idx.msk [tilespmem:v37+s13+$0x0], $0xffff  }
0x12b: {  	v18 =	vor.u32 $0x1, v18;
	_ =	sdelay $0x3  }
0x12c: {  	[tilespmem:$0x1F720] =	vst v19  }
0x12d: {  	v18 =	vld.idx.msk [tilespmem:v18+s13+$0x0], $0xffff  }
0x12e: {  	v17 =	vshll.u32 v17, $0x1;
	_ =	sdelay $0x3  }
0x12f: {  	[tilespmem:$0x1F7D0] =	vst v18  }
0x130: {  	v18 =	vld.idx.msk [tilespmem:v17+s13+$0x0], $0xffff  }
0x131: {  	v7 =	vor.u32 $0x1, v7;
	_ =	sdelay $0x3  }
0x132: {  	[tilespmem:$0x1F790] =	vst v18  }
0x133: {  	v7 =	vld.idx.msk [tilespmem:v7+s13+$0x0], $0xffff  }
0x134: {  	v6 =	vshll.u32 v6, $0x1;
	_ =	sdelay $0x3  }
0x135: {  	[tilespmem:$0x1F7E0] =	vst v7  }
0x136: {  	v7 =	vld.idx.msk [tilespmem:v6+s13+$0x0], $0xffff  }
0x137: {  	v10 =	vshll.u32 v10, $0x1;
	_ =	sdelay $0x3  }
0x138: {  	[tilespmem:$0x1F7A0] =	vst v7  }
0x139: {  	v7 =	vld.idx.msk [tilespmem:v10+s13+$0x0], $0xffff  }
0x13a: {  	v11 =	vshll.u32 v11, $0x1;
	_ =	sdelay $0x3  }
0x13b: {  	[tilespmem:$0x1F840] =	vst v7  }
0x13c: {  	v7 =	vor.u32 $0x1, v10;
	v10 =	vld.idx.msk [tilespmem:v11+s13+$0x0], $0xffff  }
0x13d: {  	v3 =	vshll.u32 v3, $0x1;
	_ =	sdelay $0x3  }
0x13e: {  	[tilespmem:$0x1F850] =	vst v10  }
0x13f: {  	v10 =	vor.u32 $0x1, v11;
	v11 =	vld.idx.msk [tilespmem:v3+s13+$0x0], $0xffff  }
0x140: {  	v17 =	vor.u32 $0x1, v17;
	_ =	sdelay $0x3  }
0x141: {  	[tilespmem:$0x1F880] =	vst v11  }
0x142: {  	v11 =	vld.idx.msk [tilespmem:v17+s13+$0x0], $0xffff  }
0x143: {  	v1 =	vshll.u32 v1, $0x1;
	_ =	sdelay $0x3  }
0x144: {  	[tilespmem:$0x1F810] =	vst v11  }
0x145: {  	v11 =	vshll.u32 v16, $0x1;
	v16 =	vld.idx.msk [tilespmem:v1+s13+$0x0], $0xffff;
	_ =	sdelay $0x4  }
0x146: {  	[tilespmem:$0x1F890] =	vst v16  }
0x147: {  	v6 =	vor.u32 $0x1, v6;
	v7 =	vld.idx.msk [tilespmem:v7+s13+$0x0], $0xffff;
	_ =	sdelay $0x4  }
0x148: {  	v43 =	vld.idx.msk [tilespmem:v6+s13+$0x0], $0xffff;
	[tilespmem:$0x1F8B0] =	vst v7  }
0x149: {  	v10 =	vld.idx.msk [tilespmem:v10+s13+$0x0], $0xffff  }
0x14a: {  	v3 =	vor.u32 $0x1, v3;
	_ =	sdelay $0x3  }
0x14b: {  	[tilespmem:$0x1F8C0] =	vst v10  }
0x14c: {  	v10 =	vshll.u32 v0, $0x1;
	v0 =	vld.idx.msk [tilespmem:v3+s13+$0x0], $0xffff;
	_ =	sdelay $0x4  }
0x14d: {  	[tilespmem:$0x1F8E0] =	vst v0  }
0x14e: {  	v0 =	vld.idx.msk [tilespmem:v11+s13+$0x0], $0xffff  }
0x14f: {  	v1 =	vor.u32 $0x1, v1;
	_ =	sdelay $0x3  }
0x150: {  	[tilespmem:$0x1F920] =	vst v0  }
0x151: {  	v0 =	vld.idx.msk [tilespmem:v1+s13+$0x0], $0xffff  }
0x152: {  	v6 =	vshll.u32 v13, $0x1;
	_ =	sdelay $0x3  }
0x153: {  	[tilespmem:$0x1F8F0] =	vst v0  }
0x154: {  	v0 =	vld.idx.msk [tilespmem:v6+s13+$0x0], $0xffff  }
0x155: {  	v7 =	vshll.u32 v25, $0x1;
	_ =	sdelay $0x3  }
0x156: {  	[tilespmem:$0x1F930] =	vst v0  }
0x157: {  	v0 =	vld.idx.msk [tilespmem:v7+s13+$0x0], $0xffff;
	_ =	sdelay $0x4  }
0x158: {  	[tilespmem:$0x1F960] =	vst v0  }
0x159: {  	v0 =	vld.idx.msk [tilespmem:v10+s13+$0x0], $0xffff  }
0x15a: {  	v3 =	vshll.u32 v12, $0x1;
	_ =	sdelay $0x3  }
0x15b: {  	[tilespmem:$0x1F970] =	vst v0  }
0x15c: {  	v0 =	vld.idx.msk [tilespmem:v3+s13+$0x0], $0xffff  }
0x15d: {  	v11 =	vor.u32 $0x1, v11;
	_ =	sdelay $0x3  }
0x15e: {  	[tilespmem:$0x1F9E0] =	vst v0  }
0x15f: {  	v0 =	vld.idx.msk [tilespmem:v11+s13+$0x0], $0xffff  }
0x160: {  	v1 =	vshll.u32 v8, $0x1;
	_ =	sdelay $0x3  }
0x161: {  	[tilespmem:$0x1F990] =	vst v0  }
0x162: {  	v0 =	vld.idx.msk [tilespmem:v1+s13+$0x0], $0xffff  }
0x163: {  	v6 =	vor.u32 $0x1, v6;
	_ =	sdelay $0x3  }
0x164: {  	[tilespmem:$0x1F9F0] =	vst v0  }
0x165: {  	v0 =	vld.idx.msk [tilespmem:v6+s13+$0x0], $0xffff;
	_ =	sdelay $0x4  }
0x166: {  	v7 =	vor.u32 $0x1, v7;
	[tilespmem:$0x1F9A0] =	vst v0;
	v0 =	vld [tilespmem:$0x1F310];
	_ =	sdelay $0x4  }
0x167: {  	v6 =	vshll.u32 v0, $0x1;
	v0 =	vld.idx.msk [tilespmem:v7+s13+$0x0], $0xffff;
	_ =	sdelay $0x4  }
0x168: {  	v10 =	vor.u32 $0x1, v10;
	[tilespmem:$0x1F9B0] =	vst v0;
	v0 =	vld [tilespmem:$0x1F320];
	_ =	sdelay $0x4  }
0x169: {  	v7 =	vshll.u32 v0, $0x1;
	v0 =	vld.idx.msk [tilespmem:v10+s13+$0x0], $0xffff;
	_ =	sdelay $0x4  }
0x16a: {  	v3 =	vor.u32 $0x1, v3;
	[tilespmem:$0x1F9C0] =	vst v0;
	v0 =	vld [tilespmem:$0x1F330];
	_ =	sdelay $0x4  }
0x16b: {  	v8 =	vshll.u32 v0, $0x1;
	v0 =	vld.idx.msk [tilespmem:v3+s13+$0x0], $0xffff;
	_ =	sdelay $0x4  }
0x16c: {  	v11 =	vshll.u32 v2, $0x1;
	[tilespmem:$0x1FA30] =	vst v0;
	v0 =	vld [tilespmem:$0x1F340];
	_ =	sdelay $0x4  }
0x16d: {  	v3 =	vshll.u32 v0, $0x1;
	v0 =	vld.idx.msk [tilespmem:v11+s13+$0x0], $0xffff  }
0x16e: {  	v1 =	vor.u32 $0x1, v1;
	_ =	sdelay $0x3  }
0x16f: {  	[tilespmem:$0x1FA00] =	vst v0  }
0x170: {  	v0 =	vld.idx.msk [tilespmem:v1+s13+$0x0], $0xffff;
	_ =	sdelay $0x4  }
0x171: {  	[tilespmem:$0x1FA40] =	vst v0;
	v0 =	vld [tilespmem:$0x1F350];
	_ =	sdelay $0x4  }
0x172: {  	v1 =	vshll.u32 v0, $0x1;
	v0 =	vld.idx.msk [tilespmem:v6+s13+$0x0], $0xffff;
	_ =	sdelay $0x4  }
0x173: {  	[tilespmem:$0x1FA10] =	vst v0  }
0x174: {  	v0 =	vld.idx.msk [tilespmem:v7+s13+$0x0], $0xffff;
	_ =	sdelay $0x4  }
0x175: {  	[tilespmem:$0x1FA80] =	vst v0  }
0x176: {  	v0 =	vld.idx.msk [tilespmem:v8+s13+$0x0], $0xffff;
	_ =	sdelay $0x4  }
0x177: {  	[tilespmem:$0x1FA90] =	vst v0  }
0x178: {  	v0 =	vld.idx.msk [tilespmem:v3+s13+$0x0], $0xffff  }
0x179: {  	v10 =	vor.u32 $0x1, v11;
	_ =	sdelay $0x3  }
0x17a: {  	[tilespmem:$0x1FAB0] =	vst v0  }
0x17b: {  	v0 =	vld.idx.msk [tilespmem:v10+s13+$0x0], $0xffff;
	_ =	sdelay $0x4  }
0x17c: {  	[tilespmem:$0x1FA60] =	vst v0  }
0x17d: {  	v2 =	vld.idx.msk [tilespmem:v1+s13+$0x0], $0xffff;
	_ =	sdelay $0x3  }
0x17e: {  	v6 =	vor.u32 $0x1, v6  }
0x17f: {  	v7 =	vor.u32 $0x1, v7;
	[tilespmem:$0x1FAC0] =	vst v2;
	v2 =	vld [tilespmem:$0x1F370];
	_ =	sdelay $0x3  }
0x180: {  	v53 =	vld.idx.msk [tilespmem:v6+s13+$0x0], $0xffff  }
0x181: {  	v6 =	vshll.u32 v2, $0x1;
	v2 =	vld.idx.msk [tilespmem:v7+s13+$0x0], $0xffff  }
0x182: {  	v8 =	vor.u32 $0x1, v8;
	_ =	sdelay $0x3  }
0x183: {  	[tilespmem:$0x1FAD0] =	vst v2  }
0x184: {  	v7 =	vld.idx.msk [tilespmem:v8+s13+$0x0], $0xffff  }
0x185: {  	v3 =	vor.u32 $0x1, v3  }
0x186: {  	v0 =	vld [tilespmem:$0x1F360];
	_ =	sdelay $0x2  }
0x187: {  	[tilespmem:$0x1FAE0] =	vst v7  }
0x188: {  	v3 =	vld.idx.msk [tilespmem:v3+s13+$0x0], $0xffff  }
0x189: {  	v0 =	vshll.u32 v0, $0x1;
	_ =	sdelay $0x3  }
0x18a: {  	[tilespmem:$0x1FB00] =	vst v3  }
0x18b: {  	v8 =	vld.idx.msk [tilespmem:v0+s13+$0x0], $0xffff  }
0x18c: {  	v1 =	vor.u32 $0x1, v1;
	_ =	sdelay $0x3  }
0x18d: {  	[tilespmem:$0x1FB20] =	vst v8  }
0x18e: {  	v1 =	vld.idx.msk [tilespmem:v1+s13+$0x0], $0xffff;
	_ =	sdelay $0x1  }
0x18f: {  	v2 =	vld [tilespmem:$0x1F380];
	_ =	sdelay $0x2  }
0x190: {  	[tilespmem:$0x1FB10] =	vst v1  }
0x191: {  	v8 =	vld.idx.msk [tilespmem:v6+s13+$0x0], $0xffff  }
0x192: {  	v2 =	vshll.u32 v2, $0x1  }
0x193: {  	v7 =	vld [tilespmem:$0x1F390];
	_ =	sdelay $0x2  }
0x194: {  	[tilespmem:$0x1FB30] =	vst v8  }
0x195: {  	v8 =	vld.idx.msk [tilespmem:v2+s13+$0x0], $0xffff  }
0x196: {  	v7 =	vshll.u32 v7, $0x1  }
0x197: {  	v3 =	vld [tilespmem:$0x1F3A0];
	_ =	sdelay $0x2  }
0x198: {  	[tilespmem:$0x1FB50] =	vst v8  }
0x199: {  	v8 =	vld.idx.msk [tilespmem:v7+s13+$0x0], $0xffff  }
0x19a: {  	v3 =	vshll.u32 v3, $0x1;
	_ =	sdelay $0x3  }
0x19b: {  	[tilespmem:$0x1FB60] =	vst v8  }
0x19c: {  	v8 =	vld.idx.msk [tilespmem:v3+s13+$0x0], $0xffff  }
0x19d: {  	v0 =	vor.u32 $0x1, v0  }
0x19e: {  	v1 =	vld [tilespmem:$0x1F3B0];
	_ =	sdelay $0x2  }
0x19f: {  	[tilespmem:$0x1FBF0] =	vst v8  }
0x1a0: {  	v0 =	vld.idx.msk [tilespmem:v0+s13+$0x0], $0xffff  }
0x1a1: {  	v1 =	vshll.u32 v1, $0x1;
	_ =	sdelay $0x3  }
0x1a2: {  	[tilespmem:$0x1FB80] =	vst v0  }
0x1a3: {  	v0 =	vld.idx.msk [tilespmem:v1+s13+$0x0], $0xffff  }
0x1a4: {  	v6 =	vor.u32 $0x1, v6;
	_ =	sdelay $0x3  }
0x1a5: {  	[tilespmem:$0x1FC00] =	vst v0  }
0x1a6: {  	v0 =	vor.u32 $0x1, v1;
	v1 =	vld.idx.msk [tilespmem:v6+s13+$0x0], $0xffff  }
0x1a7: {  	v2 =	vor.u32 $0x1, v2;
	_ =	sdelay $0x3  }
0x1a8: {  	[tilespmem:$0x1FB90] =	vst v1  }
0x1a9: {  	v2 =	vld.idx.msk [tilespmem:v2+s13+$0x0], $0xffff  }
0x1aa: {  	v7 =	vor.u32 $0x1, v7;
	_ =	sdelay $0x3  }
0x1ab: {  	s31 =	simm.s32 $0x320;
	[tilespmem:$0x1FBB0] =	vst v2  }
0x1ac: {  	v1 =	vadd.s32 s31, v5;
	v5 =	vld.idx.msk [tilespmem:v7+s13+$0x0], $0xffff  }
0x1ad: {  	v3 =	vor.u32 $0x1, v3;
	_ =	sdelay $0x3  }
0x1ae: {  	[tilespmem:$0x1FBC0] =	vst v5  }
0x1af: {  	v3 =	vld.idx.msk [tilespmem:v3+s13+$0x0], $0xffff;
	_ =	sdelay $0x4  }
0x1b0: {  	[tilespmem:$0x1FC10] =	vst v3  }
0x1b1: {  	v0 =	vld.idx.msk [tilespmem:v0+s13+$0x0], $0xffff;
	_ =	sdelay $0x4  }
0x1b2: {  	[tilespmem:$0x1FC20] =	vst v0;
	v0 =	vld [tilespmem:$0x1FCE0];
	_ =	sdelay $0x3  }
0x1b3: {  	v2 =	vadd.s32 s31, v14  }
0x1b4: {  	v10 =	vadd.s32 s31, v0;
	v0 =	vld [tilespmem:$0x1FD00];
	_ =	sdelay $0x3  }
0x1b5: {  	v6 =	vadd.s32 s31, v15;
	v15 =	vld.idx.msk [tilespmem:v2+s10+$0x0], $0xffff  }
0x1b6: {  	v2 =	vadd.s32 s31, v0;
	v0 =	vld [tilespmem:$0x1FD10];
	_ =	sdelay $0x4  }
0x1b7: {  	v12 =	vadd.s32 s31, v0;
	v0 =	vld [tilespmem:$0x1FD20];
	_ =	sdelay $0x4  }
0x1b8: {  	v13 =	vadd.s32 s31, v0;
	v0 =	vld [tilespmem:$0x1FD30];
	_ =	sdelay $0x4  }
0x1b9: {  	v16 =	vadd.s32 s31, v0;
	v0 =	vld [tilespmem:$0x1FD40];
	_ =	sdelay $0x3  }
0x1ba: {  	v27 =	vld.idx.msk [tilespmem:v2+s10+$0x0], $0xffff;
	v2 =	vadd.s32 s31, v4  }
0x1bb: {  	v18 =	vadd.s32 s31, v0;
	v0 =	vld [tilespmem:$0x1FD80];
	_ =	sdelay $0x3  }
0x1bc: {  	v35 =	vld.idx.msk [tilespmem:v2+s10+$0x0], $0xffff  }
0x1bd: {  	v2 =	vadd.s32 s31, v0;
	v0 =	vld [tilespmem:$0x1FD70];
	_ =	sdelay $0x4  }
0x1be: {  	v25 =	vadd.s32 s31, v0;
	v0 =	vld [tilespmem:$0x1FD90]  }
0x1bf: {  	v7 =	vadd.s32 s31, v30  }
0x1c0: {  	v8 =	vadd.s32 s31, v36  }
0x1c1: {  	v11 =	vadd.s32 s31, v9;
	v14 =	vld.idx.msk [tilespmem:v1+s10+$0x0], $0xffff  }
0x1c2: {  	v17 =	vld.idx.msk [tilespmem:v6+s10+$0x0], $0xffff  }
0x1c3: {  	v19 =	vadd.s32 s31, v20;
	v20 =	vadd.s32 s31, v29;
	v29 =	vadd.s32 s31, v0;
	v0 =	vld [tilespmem:$0x1FDA0]  }
0x1c4: {  	v22 =	vld.idx.msk [tilespmem:v7+s10+$0x0], $0xffff  }
0x1c5: {  	v23 =	vld.idx.msk [tilespmem:v8+s10+$0x0], $0xffff  }
0x1c6: {  	v21 =	vadd.s32 s31, v21;
	v30 =	vld.idx.msk [tilespmem:v11+s10+$0x0], $0xffff  }
0x1c7: {  	v26 =	vadd.s32 s31, v63;
	v38 =	vld.idx.msk [tilespmem:v2+s10+$0x0], $0xffff  }
0x1c8: {  	v2 =	vadd.s32 s31, v0;
	v0 =	vld [tilespmem:$0x1FDB0]  }
0x1c9: {  	v28 =	vadd.s32 s31, v28;
	v19 =	vld.idx.msk [tilespmem:v19+s10+$0x0], $0xffff  }
0x1ca: {  	v63 =	vadd.s32 s31, v34;
	v20 =	vld.idx.msk [tilespmem:v20+s10+$0x0], $0xffff  }
0x1cb: {  	v33 =	vadd.s32 s31, v33;
	v21 =	vld.idx.msk [tilespmem:v21+s10+$0x0], $0xffff  }
0x1cc: {  	v45 =	vadd.s32 s31, v45;
	v26 =	vld.idx.msk [tilespmem:v26+s10+$0x0], $0xffff  }
0x1cd: {  	v51 =	vadd.s32 s31, v0;
	v0 =	vld [tilespmem:$0x1FDE0]  }
0x1ce: {  	v28 =	vld.idx.msk [tilespmem:v28+s10+$0x0], $0xffff  }
0x1cf: {  	v37 =	vld.idx.msk [tilespmem:v63+s10+$0x0], $0xffff;
	v63 =	vadd.s32 s31, v59  }
0x1d0: {  	v33 =	vld.idx.msk [tilespmem:v33+s10+$0x0], $0xffff  }
0x1d1: {  	v40 =	vld.idx.msk [tilespmem:v45+s10+$0x0], $0xffff  }
0x1d2: {  	v52 =	vadd.s32 s31, v0;
	v0 =	vld [tilespmem:$0x1FDF0]  }
0x1d3: {  	v1 =	vld [tilespmem:$0x1FE50]  }
0x1d4: {  	v3 =	vld.idx.msk [tilespmem:v63+s10+$0x0], $0xffff  }
0x1d5: {  	v24 =	vld.idx.msk [tilespmem:v10+s10+$0x0], $0xffff  }
0x1d6: {  	v57 =	vld.idx.msk [tilespmem:v12+s10+$0x0], $0xffff  }
0x1d7: {  	v56 =	vadd.s32 s31, v0;
	v0 =	vld [tilespmem:$0x1FE00]  }
0x1d8: {  	v13 =	vld.idx.msk [tilespmem:v13+s10+$0x0], $0xffff  }
0x1d9: {  	v16 =	vld.idx.msk [tilespmem:v16+s10+$0x0], $0xffff  }
0x1da: {  	v18 =	vld.idx.msk [tilespmem:v18+s10+$0x0], $0xffff  }
0x1db: {  	v42 =	vld.idx.msk [tilespmem:v2+s10+$0x0], $0xffff;
	v2 =	vadd.s32 s31, v41  }
0x1dc: {  	v46 =	vadd.s32 s31, v0;
	v0 =	vld [tilespmem:$0x1FE40]  }
0x1dd: {  	v25 =	vld.idx.msk [tilespmem:v25+s10+$0x0], $0xffff  }
0x1de: {  	v34 =	vld.idx.msk [tilespmem:v51+s10+$0x0], $0xffff;
	v51 =	vadd.s32 s31, v62  }
0x1df: {  	v47 =	vld.idx.msk [tilespmem:v56+s10+$0x0], $0xffff  }
0x1e0: {  	v56 =	vld.idx.msk [tilespmem:v2+s10+$0x0], $0xffff;
	v2 =	vadd.s32 s31, v48  }
0x1e1: {  	v29 =	vld.idx.msk [tilespmem:v29+s10+$0x0], $0xffff;
	v0 =	vadd.s32 s31, v0  }
0x1e2: {  	v36 =	vld.idx.msk [tilespmem:v52+s10+$0x0], $0xffff  }
0x1e3: {  	v51 =	vld.idx.msk [tilespmem:v51+s10+$0x0], $0xffff  }
0x1e4: {  	v41 =	vld.idx.msk [tilespmem:v46+s10+$0x0], $0xffff  }
0x1e5: {  	v52 =	vld.idx.msk [tilespmem:v2+s10+$0x0], $0xffff;
	[tilespmem:$0x1FB40] =	vst v3  }
0x1e6: {  	v0 =	vld.idx.msk [tilespmem:v0+s10+$0x0], $0xffff  }
0x1e7: {  	v62 =	vadd.s32 s31, v1;
	v3 =	vld [tilespmem:$0x1FE90]  }
0x1e8: {  	v1 =	vld [tilespmem:$0x1FE60];
	_ =	sdelay $0x2  }
0x1e9: {  	[tilespmem:$0x1FB70] =	vst v0  }
0x1ea: {  	v63 =	vadd.s32 s31, v3;
	v3 =	vld.idx.msk [tilespmem:v62+s10+$0x0], $0xffff  }
0x1eb: {  	v1 =	vadd.s32 s31, v1;
	_ =	sdelay $0x3  }
0x1ec: {  	v2 =	vld [tilespmem:$0x1FE80];
	[tilespmem:$0x1FBA0] =	vst v3  }
0x1ed: {  	v1 =	vld.idx.msk [tilespmem:v1+s10+$0x0], $0xffff  }
0x1ee: {  	v3 =	vld [tilespmem:$0x1FEB0]  }
0x1ef: {  	v0 =	vld [tilespmem:$0x1FEA0];
	_ =	sdelay $0x2  }
0x1f0: {  	[tilespmem:$0x1FC30] =	vst v1  }
0x1f1: {  	v2 =	vadd.s32 s31, v2;
	v48 =	vadd.s32 s31, v3;
	v3 =	vld.idx.msk [tilespmem:v63+s10+$0x0], $0xffff  }
0x1f2: {  	v0 =	vadd.s32 s31, v0;
	_ =	sdelay $0x3  }
0x1f3: {  	v9 =	vld.idx.msk [tilespmem:v2+s10+$0x0], $0xffff;
	[tilespmem:$0x1FBD0] =	vst v3  }
0x1f4: {  	v0 =	vld.idx.msk [tilespmem:v0+s10+$0x0], $0xffff;
	_ =	sdelay $0x1  }
0x1f5: {  	v1 =	vld [tilespmem:$0x1FEF0]  }
0x1f6: {  	v2 =	vld [tilespmem:$0x1FF00];
	_ =	sdelay $0x1  }
0x1f7: {  	[tilespmem:$0x1FC40] =	vst v0  }
0x1f8: {  	v3 =	vld.idx.msk [tilespmem:v48+s10+$0x0], $0xffff  }
0x1f9: {  	v1 =	vadd.s32 s31, v1;
	v0 =	vld [tilespmem:$0x1FEC0]  }
0x1fa: {  	v2 =	vadd.s32 s31, v2;
	_ =	sdelay $0x2  }
0x1fb: {  	v4 =	vld [tilespmem:$0x1FF30];
	[tilespmem:$0x1FC50] =	vst v3  }
0x1fc: {  	v0 =	vadd.s32 s31, v0;
	v5 =	vld.idx.msk [tilespmem:v1+s10+$0x0], $0xffff  }
0x1fd: {  	v6 =	vld.idx.msk [tilespmem:v2+s10+$0x0], $0xffff  }
0x1fe: {  	v2 =	vld [tilespmem:$0x1FEE0];
	_ =	sdelay $0x1  }
0x1ff: {  	v49 =	vadd.s32 s31, v61;
	v3 =	vld [tilespmem:$0x1FED0]  }
0x200: {  	v4 =	vadd.s32 s31, v4;
	v7 =	vld.idx.msk [tilespmem:v0+s10+$0x0], $0xffff  }
0x201: {  	v0 =	vld [tilespmem:$0x1FF20];
	v5 =	vshll.u32 v5, $0x1  }
0x202: {  	v2 =	vadd.s32 s31, v2  }
0x203: {  	v1 =	vadd.s32 s31, v32  }
0x204: {  	v59 =	vld.idx.msk [tilespmem:v49+s10+$0x0], $0xffff;
	v61 =	vadd.s32 s31, v3  }
0x205: {  	v4 =	vld.idx.msk [tilespmem:v4+s10+$0x0], $0xffff;
	v3 =	vadd.s32 s31, v50  }
0x206: {  	v62 =	vor.u32 $0x1, v5;
	v0 =	vadd.s32 s31, v0;
	v5 =	vld.idx.msk [tilespmem:v5+s13+$0x0], $0xffff  }
0x207: {  	v49 =	vld.idx.msk [tilespmem:v2+s10+$0x0], $0xffff;
	v2 =	vshll.u32 v6, $0x1  }
0x208: {  	v1 =	vld.idx.msk [tilespmem:v1+s10+$0x0], $0xffff  }
0x209: {  	v8 =	vld.idx.msk [tilespmem:v61+s10+$0x0], $0xffff  }
0x20a: {  	v61 =	vld.idx.msk [tilespmem:v3+s10+$0x0], $0xffff  }
0x20b: {  	v3 =	vld.idx.msk [tilespmem:v0+s10+$0x0], $0xffff;
	[tilespmem:$0x1FC60] =	vst v5  }
0x20c: {  	v0 =	vor.u32 $0x1, v2;
	v2 =	vld.idx.msk [tilespmem:v2+s13+$0x0], $0xffff  }
0x20d: {  	v6 =	vshll.u32 v59, $0x1;
	_ =	sdelay $0x3  }
0x20e: {  	[tilespmem:$0x1FC70] =	vst v2  }
0x20f: {  	v2 =	vor.u32 $0x1, v6;
	v6 =	vld.idx.msk [tilespmem:v6+s13+$0x0], $0xffff  }
0x210: {  	v10 =	vld [tilespmem:$0x1F3D0];
	_ =	sdelay $0x3  }
0x211: {  	[tilespmem:$0x1FC80] =	vst v6  }
0x212: {  	v63 =	vadd.f32 $0.0e+00, v10;
	v10 =	vld.idx.msk [tilespmem:v62+s13+$0x0], $0xffff;
	_ =	sdelay $0x4  }
0x213: {  	[tilespmem:$0x1FCA0] =	vst v10;
	v10 =	vld [tilespmem:$0x1F400];
	_ =	sdelay $0x2  }
0x214: {  	v31 =	vadd.f32 $0.0e+00, v31  }
0x215: {  	v0 =	vld.idx.msk [tilespmem:v0+s13+$0x0], $0xffff  }
0x216: {  	v1 =	vshll.u32 v1, $0x1;
	v31 =	vadd.f32 v10, v31;
	v10 =	vld [tilespmem:$0x1F410];
	_ =	sdelay $0x2  }
0x217: {  	v55 =	vadd.f32 $0.0e+00, v55  }
0x218: {  	[tilespmem:$0x1FCB0] =	vst v0  }
0x219: {  	v59 =	vadd.f32 v10, v55;
	v10 =	vld.idx.msk [tilespmem:v1+s13+$0x0], $0xffff;
	_ =	sdelay $0x4  }
0x21a: {  	[tilespmem:$0x1FC90] =	vst v10;
	v10 =	vld [tilespmem:$0x1F430];
	_ =	sdelay $0x2  }
0x21b: {  	v0 =	vld [tilespmem:$0x1F420];
	_ =	sdelay $0x1  }
0x21c: {  	v45 =	vadd.f32 $0.0e+00, v10;
	v10 =	vor.u32 $0x1, v1;
	v1 =	vld [tilespmem:$0x1F440];
	_ =	sdelay $0x2  }
0x21d: {  	v0 =	vadd.f32 $0.0e+00, v0;
	_ =	sdelay $0x1  }
0x21e: {  	v0 =	vadd.f32 v1, v0;
	v1 =	vld [tilespmem:$0x1F450];
	_ =	sdelay $0x2  }
0x21f: {  	v32 =	vadd.f32 $0.0e+00, v60;
	_ =	sdelay $0x1  }
0x220: {  	v8 =	vshll.u32 v8, $0x1;
	v46 =	vadd.f32 v1, v32;
	v1 =	vld [tilespmem:$0x1F460];
	_ =	sdelay $0x4  }
0x221: {  	v7 =	vshll.u32 v7, $0x1;
	v60 =	vadd.f32 v1, v45;
	v1 =	vld.idx.msk [tilespmem:v8+s13+$0x0], $0xffff  }
0x222: {  	v3 =	vshll.u32 v3, $0x1;
	_ =	sdelay $0x1  }
0x223: {  	v5 =	vld [tilespmem:$0x1F3C0]  }
0x224: {  	v55 =	vld.idx.msk [tilespmem:v2+s13+$0x0], $0xffff  }
0x225: {  	v4 =	vshll.u32 v4, $0x1;
	v50 =	vld.idx.msk [tilespmem:v7+s13+$0x0], $0xffff;
	[tilespmem:$0x1F470] =	vst v1  }
0x226: {  	v2 =	vld.idx.msk [tilespmem:v3+s13+$0x0], $0xffff  }
0x227: {  	v12 =	vor.u32 $0x1, v3;
	v3 =	vld [tilespmem:$0x1F4E0]  }
0x228: {  	v58 =	vadd.f32 $0.0e+00, v58;
	v6 =	vld [tilespmem:$0x1F3E0]  }
0x229: {  	v1 =	vld [tilespmem:$0x1F480]  }
0x22a: {  	v58 =	vadd.f32 v54, v58;
	v54 =	vld.idx.msk [tilespmem:v4+s13+$0x0], $0xffff  }
0x22b: {  	v11 =	vor.u32 $0x1, v4;
	v4 =	vld.idx.msk [tilespmem:v10+s13+$0x0], $0xffff  }
0x22c: {  	v9 =	vshll.u32 v9, $0x1;
	v5 =	vadd.f32 $0.0e+00, v5;
	v10 =	vadd.f32 v3, v60;
	v3 =	vld [tilespmem:$0x1F4F0];
	_ =	sdelay $0x1  }
0x22d: {  	v5 =	vadd.f32 v6, v5;
	v6 =	vld [tilespmem:$0x1F3F0];
	_ =	sdelay $0x1  }
0x22e: {  	v5 =	vadd.f32 v1, v5;
	v1 =	vld [tilespmem:$0x1F490]  }
0x22f: {  	v58 =	vadd.f32 v3, v58;
	v3 =	vld.idx.msk [tilespmem:v9+s13+$0x0], $0xffff;
	_ =	sdelay $0x1  }
0x230: {  	v6 =	vadd.f32 v6, v63;
	_ =	sdelay $0x1  }
0x231: {  	v6 =	vadd.f32 v1, v6;
	v1 =	vld [tilespmem:$0x1F4A0]  }
0x232: {  	[tilespmem:$0x1F500] =	vst v3;
	v3 =	vld [tilespmem:$0x1F510];
	_ =	sdelay $0x3  }
0x233: {  	v31 =	vadd.f32 v1, v31;
	v1 =	vld [tilespmem:$0x1F4B0]  }
0x234: {  	v3 =	vadd.f32 v3, v5;
	v5 =	vld [tilespmem:$0x1F520];
	_ =	sdelay $0x2  }
0x235: {  	v7 =	vor.u32 $0x1, v7  }
0x236: {  	v59 =	vadd.f32 v1, v59;
	v1 =	vld [tilespmem:$0x1F4C0]  }
0x237: {  	v6 =	vadd.f32 v5, v6;
	v5 =	vld [tilespmem:$0x1F530];
	_ =	sdelay $0x2  }
0x238: {  	v62 =	vld.idx.msk [tilespmem:v7+s13+$0x0], $0xffff  }
0x239: {  	v0 =	vadd.f32 v1, v0;
	v1 =	vld [tilespmem:$0x1F4D0]  }
0x23a: {  	v7 =	vadd.f32 v5, v31;
	v5 =	vld [tilespmem:$0x1F540];
	_ =	sdelay $0x4  }
0x23b: {  	v1 =	vadd.f32 v1, v46;
	v46 =	vshll.u32 v14, $0x1;
	v14 =	vadd.f32 v5, v59;
	v5 =	vld [tilespmem:$0x1F550];
	_ =	sdelay $0x1  }
0x23c: {  	v8 =	vor.u32 $0x1, v8;
	_ =	sdelay $0x1  }
0x23d: {  	v45 =	vor.u32 $0x1, v9  }
0x23e: {  	v0 =	vadd.f32 v5, v0;
	v5 =	vld [tilespmem:$0x1F560];
	_ =	sdelay $0x1  }
0x23f: {  	v63 =	vld.idx.msk [tilespmem:v8+s13+$0x0], $0xffff  }
0x240: {  	v9 =	vld.idx.msk [tilespmem:v11+s13+$0x0], $0xffff  }
0x241: {  	v8 =	vadd.f32 v44, v10;
	v10 =	vadd.f32 v39, v58;
	v58 =	vld.idx.msk [tilespmem:v45+s13+$0x0], $0xffff  }
0x242: {  	v1 =	vadd.f32 v5, v1;
	v5 =	vld.idx.msk [tilespmem:v12+s13+$0x0], $0xffff;
	[tilespmem:$0x1F5B0] =	vst v46  }
0x243: {  	v12 =	vld.idx.msk [tilespmem:v46+s13+$0x0], $0xffff;
	_ =	sdelay $0x4  }
0x244: {  	[tilespmem:$0x1F5C0] =	vst v12;
	v12 =	vld [tilespmem:$0x1F5D0];
	_ =	sdelay $0x4  }
0x245: {  	v31 =	vshll.u32 v15, $0x1;
	v0 =	vadd.f32 v12, v0;
	v12 =	vld [tilespmem:$0x1F5E0];
	_ =	sdelay $0x3  }
0x246: {  	[tilespmem:$0x1F5F0] =	vst v31  }
0x247: {  	v1 =	vadd.f32 v12, v1;
	v12 =	vld.idx.msk [tilespmem:v31+s13+$0x0], $0xffff;
	_ =	sdelay $0x4  }
0x248: {  	[tilespmem:$0x1F600] =	vst v12;
	v12 =	vld [tilespmem:$0x1F610];
	_ =	sdelay $0x4  }
0x249: {  	v17 =	vshll.u32 v17, $0x1;
	v8 =	vadd.f32 v12, v8;
	v12 =	vld [tilespmem:$0x1F620];
	_ =	sdelay $0x3  }
0x24a: {  	[tilespmem:$0x1F630] =	vst v17  }
0x24b: {  	v10 =	vadd.f32 v12, v10;
	v12 =	vld.idx.msk [tilespmem:v17+s13+$0x0], $0xffff;
	_ =	sdelay $0x2  }
0x24c: {  	v11 =	vld [tilespmem:$0x1F570];
	_ =	sdelay $0x1  }
0x24d: {  	[tilespmem:$0x1F640] =	vst v12;
	v12 =	vld [tilespmem:$0x1F650];
	_ =	sdelay $0x2  }
0x24e: {  	v3 =	vadd.f32 v11, v3;
	v11 =	vld [tilespmem:$0x1F580];
	_ =	sdelay $0x1  }
0x24f: {  	v15 =	vshll.u32 v22, $0x1;
	v3 =	vadd.f32 v12, v3;
	v12 =	vld [tilespmem:$0x1F660];
	_ =	sdelay $0x2  }
0x250: {  	v6 =	vadd.f32 v11, v6  }
0x251: {  	[tilespmem:$0x1F670] =	vst v15  }
0x252: {  	v6 =	vadd.f32 v12, v6;
	v12 =	vld.idx.msk [tilespmem:v15+s13+$0x0], $0xffff;
	_ =	sdelay $0x2  }
0x253: {  	v11 =	vld [tilespmem:$0x1F590];
	_ =	sdelay $0x1  }
0x254: {  	[tilespmem:$0x1F680] =	vst v12;
	v12 =	vld [tilespmem:$0x1F690];
	_ =	sdelay $0x2  }
0x255: {  	v7 =	vadd.f32 v11, v7;
	v11 =	vld [tilespmem:$0x1F5A0];
	_ =	sdelay $0x1  }
0x256: {  	v48 =	vshll.u32 v23, $0x1;
	v7 =	vadd.f32 v12, v7;
	v12 =	vld [tilespmem:$0x1F6A0];
	_ =	sdelay $0x2  }
0x257: {  	v11 =	vadd.f32 v11, v14  }
0x258: {  	[tilespmem:$0x1F6B0] =	vst v48  }
0x259: {  	v11 =	vadd.f32 v12, v11;
	v12 =	vld.idx.msk [tilespmem:v48+s13+$0x0], $0xffff;
	_ =	sdelay $0x4  }
0x25a: {  	[tilespmem:$0x1F6C0] =	vst v12;
	v12 =	vld [tilespmem:$0x1F6D0];
	_ =	sdelay $0x4  }
0x25b: {  	v23 =	vshll.u32 v24, $0x1;
	v0 =	vadd.f32 v12, v0;
	v12 =	vld [tilespmem:$0x1F6E0];
	_ =	sdelay $0x3  }
0x25c: {  	[tilespmem:$0x1F6F0] =	vst v23  }
0x25d: {  	v1 =	vadd.f32 v12, v1;
	v12 =	vld.idx.msk [tilespmem:v23+s13+$0x0], $0xffff;
	_ =	sdelay $0x4  }
0x25e: {  	[tilespmem:$0x1F700] =	vst v12;
	v12 =	vld [tilespmem:$0x1F710];
	_ =	sdelay $0x4  }
0x25f: {  	v22 =	vshll.u32 v27, $0x1;
	v8 =	vadd.f32 v12, v8;
	v12 =	vld [tilespmem:$0x1F720];
	_ =	sdelay $0x3  }
0x260: {  	[tilespmem:$0x1F730] =	vst v22  }
0x261: {  	v10 =	vadd.f32 v12, v10;
	v12 =	vld.idx.msk [tilespmem:v22+s13+$0x0], $0xffff;
	_ =	sdelay $0x4  }
0x262: {  	[tilespmem:$0x1F740] =	vst v12;
	v12 =	vld [tilespmem:$0x1F750];
	_ =	sdelay $0x4  }
0x263: {  	v14 =	vshll.u32 v30, $0x1;
	v3 =	vadd.f32 v12, v3;
	v12 =	vld [tilespmem:$0x1F760];
	_ =	sdelay $0x3  }
0x264: {  	[tilespmem:$0x1F770] =	vst v14  }
0x265: {  	v6 =	vadd.f32 v12, v6;
	v12 =	vld.idx.msk [tilespmem:v14+s13+$0x0], $0xffff;
	_ =	sdelay $0x4  }
0x266: {  	[tilespmem:$0x1F780] =	vst v12;
	v12 =	vld [tilespmem:$0x1F790];
	_ =	sdelay $0x4  }
0x267: {  	v24 =	vshll.u32 v57, $0x1;
	v7 =	vadd.f32 v12, v7;
	v12 =	vld [tilespmem:$0x1F7A0];
	_ =	sdelay $0x3  }
0x268: {  	[tilespmem:$0x1F7B0] =	vst v24  }
0x269: {  	v11 =	vadd.f32 v12, v11;
	v12 =	vld.idx.msk [tilespmem:v24+s13+$0x0], $0xffff;
	_ =	sdelay $0x4  }
0x26a: {  	[tilespmem:$0x1F7C0] =	vst v12;
	v12 =	vld [tilespmem:$0x1F7D0];
	_ =	sdelay $0x4  }
0x26b: {  	v17 =	vshll.u32 v13, $0x1;
	v0 =	vadd.f32 v12, v0;
	v12 =	vld [tilespmem:$0x1F7E0];
	_ =	sdelay $0x3  }
0x26c: {  	[tilespmem:$0x1F7F0] =	vst v17  }
0x26d: {  	v1 =	vadd.f32 v12, v1;
	v12 =	vld.idx.msk [tilespmem:v17+s13+$0x0], $0xffff;
	_ =	sdelay $0x4  }
0x26e: {  	v15 =	vshll.u32 v16, $0x1;
	[tilespmem:$0x1F800] =	vst v12;
	v12 =	vld [tilespmem:$0x1F810];
	_ =	sdelay $0x3  }
0x26f: {  	[tilespmem:$0x1F820] =	vst v15  }
0x270: {  	v8 =	vadd.f32 v12, v8;
	v12 =	vld.idx.msk [tilespmem:v15+s13+$0x0], $0xffff;
	_ =	sdelay $0x4  }
0x271: {  	[tilespmem:$0x1F830] =	vst v12;
	v12 =	vld [tilespmem:$0x1F840];
	_ =	sdelay $0x4  }
0x272: {  	v13 =	vshll.u32 v35, $0x1;
	v3 =	vadd.f32 v12, v3;
	v12 =	vld [tilespmem:$0x1F850];
	_ =	sdelay $0x3  }
0x273: {  	[tilespmem:$0x1F860] =	vst v13  }
0x274: {  	v6 =	vadd.f32 v12, v6;
	v12 =	vld.idx.msk [tilespmem:v13+s13+$0x0], $0xffff;
	_ =	sdelay $0x4  }
0x275: {  	[tilespmem:$0x1F870] =	vst v12;
	v12 =	vld [tilespmem:$0x1F880];
	_ =	sdelay $0x4  }
0x276: {  	v27 =	vshll.u32 v18, $0x1;
	v7 =	vadd.f32 v12, v7;
	v12 =	vld [tilespmem:$0x1F890];
	_ =	sdelay $0x4  }
0x277: {  	v11 =	vadd.f32 v12, v11;
	v12 =	vld.idx.msk [tilespmem:v27+s13+$0x0], $0xffff;
	_ =	sdelay $0x4  }
0x278: {  	[tilespmem:$0x1F8A0] =	vst v12;
	v12 =	vld [tilespmem:$0x1F8B0];
	_ =	sdelay $0x4  }
0x279: {  	v18 =	vshll.u32 v19, $0x1;
	v0 =	vadd.f32 v12, v0;
	v12 =	vld [tilespmem:$0x1F8C0];
	_ =	sdelay $0x4  }
0x27a: {  	v1 =	vadd.f32 v12, v1;
	v12 =	vld.idx.msk [tilespmem:v18+s13+$0x0], $0xffff;
	_ =	sdelay $0x4  }
0x27b: {  	[tilespmem:$0x1F8D0] =	vst v12;
	v12 =	vld [tilespmem:$0x1F8E0];
	_ =	sdelay $0x4  }
0x27c: {  	v16 =	vshll.u32 v20, $0x1;
	v8 =	vadd.f32 v12, v8;
	v12 =	vld [tilespmem:$0x1F8F0];
	_ =	sdelay $0x2  }
0x27d: {  	v10 =	vadd.f32 v43, v10  }
0x27e: {  	[tilespmem:$0x1F900] =	vst v16  }
0x27f: {  	v10 =	vadd.f32 v12, v10;
	v12 =	vld.idx.msk [tilespmem:v16+s13+$0x0], $0xffff;
	_ =	sdelay $0x4  }
0x280: {  	[tilespmem:$0x1F910] =	vst v12;
	v12 =	vld [tilespmem:$0x1F920];
	_ =	sdelay $0x4  }
0x281: {  	v14 =	vshll.u32 v21, $0x1;
	v3 =	vadd.f32 v12, v3;
	v12 =	vld [tilespmem:$0x1F930];
	_ =	sdelay $0x3  }
0x282: {  	[tilespmem:$0x1F940] =	vst v14  }
0x283: {  	v6 =	vadd.f32 v12, v6;
	v12 =	vld.idx.msk [tilespmem:v14+s13+$0x0], $0xffff;
	_ =	sdelay $0x4  }
0x284: {  	[tilespmem:$0x1F950] =	vst v12;
	v12 =	vld [tilespmem:$0x1F960];
	_ =	sdelay $0x4  }
0x285: {  	v7 =	vadd.f32 v12, v7;
	v12 =	vld [tilespmem:$0x1F970];
	_ =	sdelay $0x4  }
0x286: {  	v11 =	vadd.f32 v12, v11;
	v12 =	vld [tilespmem:$0x1F990];
	_ =	sdelay $0x4  }
0x287: {  	v0 =	vadd.f32 v12, v0;
	v12 =	vld [tilespmem:$0x1F9A0];
	_ =	sdelay $0x4  }
0x288: {  	v1 =	vadd.f32 v12, v1;
	v12 =	vld [tilespmem:$0x1F9B0];
	_ =	sdelay $0x4  }
0x289: {  	v35 =	vshll.u32 v26, $0x1;
	v8 =	vadd.f32 v12, v8;
	v12 =	vld [tilespmem:$0x1F9C0];
	_ =	sdelay $0x2  }
0x28a: {  	v15 =	vshll.u32 v38, $0x1  }
0x28b: {  	v44 =	vshll.u32 v25, $0x1;
	[tilespmem:$0x1F980] =	vst v15  }
0x28c: {  	v10 =	vadd.f32 v12, v10;
	v12 =	vld.idx.msk [tilespmem:v35+s13+$0x0], $0xffff;
	_ =	sdelay $0x2  }
0x28d: {  	v30 =	vld.idx.msk [tilespmem:v15+s13+$0x0], $0xffff  }
0x28e: {  	v32 =	vld.idx.msk [tilespmem:v44+s13+$0x0], $0xffff  }
0x28f: {  	[tilespmem:$0x1F9D0] =	vst v12;
	v12 =	vld [tilespmem:$0x1F9E0];
	_ =	sdelay $0x4  }
0x290: {  	v3 =	vadd.f32 v12, v3;
	v12 =	vld [tilespmem:$0x1F9F0];
	_ =	sdelay $0x4  }
0x291: {  	v6 =	vadd.f32 v12, v6;
	v12 =	vld [tilespmem:$0x1FA00];
	_ =	sdelay $0x4  }
0x292: {  	v39 =	vshll.u32 v29, $0x1;
	v7 =	vadd.f32 v12, v7;
	v12 =	vld [tilespmem:$0x1FA10];
	_ =	sdelay $0x3  }
0x293: {  	v13 =	vshll.u32 v28, $0x1  }
0x294: {  	v11 =	vadd.f32 v12, v11;
	v12 =	vld.idx.msk [tilespmem:v39+s13+$0x0], $0xffff;
	_ =	sdelay $0x3  }
0x295: {  	v48 =	vshll.u32 v36, $0x1;
	v36 =	vld.idx.msk [tilespmem:v13+s13+$0x0], $0xffff  }
0x296: {  	[tilespmem:$0x1FA20] =	vst v12;
	v12 =	vld [tilespmem:$0x1FA30];
	_ =	sdelay $0x4  }
0x297: {  	v45 =	vshll.u32 v42, $0x1;
	v0 =	vadd.f32 v12, v0;
	v12 =	vld [tilespmem:$0x1FA40];
	_ =	sdelay $0x4  }
0x298: {  	v1 =	vadd.f32 v12, v1;
	v12 =	vld.idx.msk [tilespmem:v45+s13+$0x0], $0xffff  }
0x299: {  	v15 =	vshll.u32 v33, $0x1  }
0x29a: {  	v14 =	vshll.u32 v34, $0x1;
	_ =	sdelay $0x1  }
0x29b: {  	[tilespmem:$0x1FA70] =	vst v15  }
0x29c: {  	[tilespmem:$0x1FA50] =	vst v12  }
0x29d: {  	v42 =	vshll.u32 v37, $0x1;
	v37 =	vld.idx.msk [tilespmem:v15+s13+$0x0], $0xffff;
	[tilespmem:$0x1FAA0] =	vst v14  }
0x29e: {  	v34 =	vmov v13;
	v13 =	vshll.u32 v40, $0x1;
	v40 =	vld.idx.msk [tilespmem:v14+s13+$0x0], $0xffff  }
0x29f: {  	v14 =	vld [tilespmem:$0x1FAD0];
	_ =	sdelay $0x4  }
0x2a0: {  	v47 =	vshll.u32 v47, $0x1;
	v0 =	vadd.f32 v14, v0;
	v14 =	vld [tilespmem:$0x1FAE0];
	_ =	sdelay $0x4  }
0x2a1: {  	v1 =	vadd.f32 v14, v1;
	v14 =	vld.idx.msk [tilespmem:v47+s13+$0x0], $0xffff;
	_ =	sdelay $0x2  }
0x2a2: {  	v12 =	vld [tilespmem:$0x1FA60]  }
0x2a3: {  	v46 =	vld.idx.msk [tilespmem:v48+s13+$0x0], $0xffff  }
0x2a4: {  	[tilespmem:$0x1FAF0] =	vst v14;
	v14 =	vld [tilespmem:$0x1FB00];
	_ =	sdelay $0x2  }
0x2a5: {  	v8 =	vadd.f32 v12, v8;
	_ =	sdelay $0x1  }
0x2a6: {  	v8 =	vadd.f32 v14, v8;
	v14 =	vld [tilespmem:$0x1FB10];
	_ =	sdelay $0x2  }
0x2a7: {  	v10 =	vadd.f32 v53, v10;
	v12 =	vld [tilespmem:$0x1FA80];
	_ =	sdelay $0x1  }
0x2a8: {  	v10 =	vadd.f32 v14, v10;
	v14 =	vld [tilespmem:$0x1FB20];
	_ =	sdelay $0x2  }
0x2a9: {  	v3 =	vadd.f32 v12, v3;
	v12 =	vld [tilespmem:$0x1FA90];
	_ =	sdelay $0x1  }
0x2aa: {  	v3 =	vadd.f32 v14, v3;
	v14 =	vld [tilespmem:$0x1FB30];
	_ =	sdelay $0x2  }
0x2ab: {  	v6 =	vadd.f32 v12, v6;
	_ =	sdelay $0x1  }
0x2ac: {  	v6 =	vadd.f32 v14, v6;
	v14 =	vld [tilespmem:$0x1FB40];
	_ =	sdelay $0x2  }
0x2ad: {  	v12 =	vld [tilespmem:$0x1FAB0];
	_ =	sdelay $0x1  }
0x2ae: {  	v17 =	vshll.u32 v14, $0x1;
	v14 =	vld [tilespmem:$0x1FB50];
	_ =	sdelay $0x2  }
0x2af: {  	v7 =	vadd.f32 v12, v7;
	v12 =	vld [tilespmem:$0x1FAC0];
	_ =	sdelay $0x1  }
0x2b0: {  	v7 =	vadd.f32 v14, v7;
	v14 =	vld [tilespmem:$0x1FB60];
	_ =	sdelay $0x2  }
0x2b1: {  	v11 =	vadd.f32 v12, v11;
	_ =	sdelay $0x1  }
0x2b2: {  	v11 =	vadd.f32 v14, v11;
	v14 =	vld [tilespmem:$0x1FB70]  }
0x2b3: {  	v15 =	vld [tilespmem:$0x1FBB0];
	_ =	sdelay $0x3  }
0x2b4: {  	v22 =	vshll.u32 v14, $0x1;
	v14 =	vld [tilespmem:$0x1FB80]  }
0x2b5: {  	v8 =	vadd.f32 v15, v8;
	v15 =	vld [tilespmem:$0x1FBC0];
	_ =	sdelay $0x3  }
0x2b6: {  	v14 =	vadd.f32 v14, v0;
	v0 =	vld [tilespmem:$0x1FB90]  }
0x2b7: {  	v53 =	vshll.u32 v51, $0x1;
	v10 =	vadd.f32 v15, v10;
	v15 =	vld [tilespmem:$0x1FBD0];
	_ =	sdelay $0x2  }
0x2b8: {  	v43 =	vshll.u32 v56, $0x1  }
0x2b9: {  	v12 =	vshll.u32 v41, $0x1;
	v1 =	vadd.f32 v0, v1;
	v0 =	vld [tilespmem:$0x1FBA0]  }
0x2ba: {  	v16 =	vshll.u32 v15, $0x1;
	v15 =	vld.idx.msk [tilespmem:v53+s13+$0x0], $0xffff  }
0x2bb: {  	v38 =	vld.idx.msk [tilespmem:v42+s13+$0x0], $0xffff  }
0x2bc: {  	v31 =	vld.idx.msk [tilespmem:v13+s13+$0x0], $0xffff  }
0x2bd: {  	v41 =	vld.idx.msk [tilespmem:v43+s13+$0x0], $0xffff  }
0x2be: {  	v60 =	vshll.u32 v0, $0x1;
	v0 =	vld.idx.msk [tilespmem:v12+s13+$0x0], $0xffff  }
0x2bf: {  	[tilespmem:$0x1FBE0] =	vst v15;
	v15 =	vld [tilespmem:$0x1FBF0];
	_ =	sdelay $0x4  }
0x2c0: {  	v7 =	vadd.f32 v15, v7;
	v15 =	vld [tilespmem:$0x1FC00];
	_ =	sdelay $0x4  }
0x2c1: {  	v11 =	vadd.f32 v15, v11;
	v15 =	vld [tilespmem:$0x1FC10];
	_ =	sdelay $0x4  }
0x2c2: {  	v8 =	vadd.f32 v15, v8;
	v15 =	vld [tilespmem:$0x1FC20];
	_ =	sdelay $0x3  }
0x2c3: {  	v59 =	vld [tilespmem:$0x1FCC0]  }
0x2c4: {  	v10 =	vadd.f32 v15, v10;
	_ =	sdelay $0x1  }
0x2c5: {  	v14 =	vadd.f32 v1, v14;
	v8 =	vadd.f32 v10, v8  }
0x2c6: {  	v7 =	vadd.f32 v11, v7;
	v11 =	vadd.f32 v6, v3;
	v3 =	vld [tilespmem:$0x1FC30]  }
0x2c7: {  	v10 =	vor.u32 s18, v59;
	v15 =	vadd.f32 v8, v14;
	v8 =	vld [tilespmem:$0x1FC60]  }
0x2c8: {  	v33 =	vld [tilespmem:$0x1FCD0];
	_ =	sdelay $0x1  }
0x2c9: {  	v1 =	vld [tilespmem:$0x1FC50];
	v11 =	vadd.f32 v7, v11  }
0x2ca: {  	v19 =	vshll.u32 v61, $0x1;
	v61 =	vshll.u32 v3, $0x1;
	v3 =	vld [tilespmem:$0x1FC40]  }
0x2cb: {  	v26 =	vmov v18;
	v18 =	vshll.u32 v49, $0x1;
	v28 =	vadd.f32 $0.0e+00, v8;
	v8 =	vld [tilespmem:$0x1FC70];
	[tilespmem:v10+s16+$0x0] =	vst.idx.msk $0xffff, v11  }
0x2cc: {  	v29 =	vor.u32 s18, v33;
	v10 =	vld [tilespmem:$0x1FC80];
	_ =	sdelay $0x1  }
0x2cd: {  	v52 =	vshll.u32 v52, $0x1;
	_ =	sdelay $0x1  }
0x2ce: {  	v21 =	vshll.u32 v1, $0x1;
	v1 =	vld.idx.msk [tilespmem:v18+s13+$0x0], $0xffff  }
0x2cf: {  	v7 =	vor.u32 $0x1, v18;
	v18 =	vadd.f32 $0.0e+00, v10;
	v10 =	vld [tilespmem:$0x1FC90];
	[tilespmem:v29+s16+$0x0] =	vst.idx.msk $0xffff, v15  }
0x2d0: {  	v11 =	vld [tilespmem:$0x1FCA0]  }
0x2d1: {  	v49 =	vld.idx.msk [tilespmem:v52+s13+$0x0], $0xffff  }
0x2d2: {  	v56 =	vld.idx.msk [tilespmem:v17+s13+$0x0], $0xffff  }
0x2d3: {  	v57 =	vld.idx.msk [tilespmem:v22+s13+$0x0], $0xffff;
	v6 =	vshll.u32 v3, $0x1  }
0x2d4: {  	v20 =	vld.idx.msk [tilespmem:v19+s13+$0x0], $0xffff  }
0x2d5: {  	v15 =	vadd.f32 $0.0e+00, v11;
	v11 =	vld [tilespmem:$0x1FCB0]  }
0x2d6: {  	v59 =	vld.idx.msk [tilespmem:v60+s13+$0x0], $0xffff  }
0x2d7: {  	v25 =	vor.u32 $0x1, v16;
	v3 =	vld.idx.msk [tilespmem:v16+s13+$0x0], $0xffff  }
0x2d8: {  	v24 =	vor.u32 $0x1, v19;
	v16 =	vld.idx.msk [tilespmem:v6+s13+$0x0], $0xffff  }
0x2d9: {  	v14 =	vadd.f32 $0.0e+00, v8;
	v8 =	vld.idx.msk [tilespmem:v61+s13+$0x0], $0xffff;
	v19 =	vadd.f32 $0.0e+00, v10;
	v10 =	vor.u32 $0x1, v17  }
0x2da: {  	s19 =	simm.s32 $0x640;
	v17 =	vld.idx.msk [tilespmem:v21+s13+$0x0], $0xffff;
	v29 =	vadd.f32 $0.0e+00, v11;
	v11 =	vor.u32 $0x1, v22  }
.LBB2_4:
0x2db: {  	v22 =	vld [tilespmem:$0x1F470]  }
0x2dc: {  	v25 =	vld.idx.msk [tilespmem:v25+s13+$0x0], $0xffff  }
0x2dd: {  	v6 =	vor.u32 $0x1, v6;
	v7 =	vld.idx.msk [tilespmem:v7+s13+$0x0], $0xffff  }
0x2de: {  	v55 =	vadd.f32 $0.0e+00, v55;
	v21 =	vor.u32 $0x1, v21;
	v10 =	vld.idx.msk [tilespmem:v10+s13+$0x0], $0xffff;
	v4 =	vadd.f32 $0.0e+00, v4  }
0x2df: {  	v12 =	vor.u32 $0x1, v12;
	v2 =	vadd.f32 v2, v18;
	v18 =	vadd.f32 v54, v19;
	v19 =	vld.idx.msk [tilespmem:v24+s13+$0x0], $0xffff  }
0x2e0: {  	v13 =	vor.u32 $0x1, v13;
	v24 =	vadd.f32 v63, v29;
	v14 =	vadd.f32 v22, v14;
	v22 =	vld [tilespmem:$0x1F500]  }
0x2e1: {  	v5 =	vadd.f32 v5, v55;
	v4 =	vadd.f32 v9, v4;
	v9 =	vld.idx.msk [tilespmem:v11+s13+$0x0], $0xffff;
	v11 =	vor.u32 $0x1, v60  }
0x2e2: {  	v6 =	vld.idx.msk [tilespmem:v6+s13+$0x0], $0xffff;
	v1 =	vadd.f32 v1, v2;
	v2 =	vadd.f32 v20, v18;
	v20 =	vor.u32 $0x1, v48  }
0x2e3: {  	v15 =	vadd.f32 v62, v15;
	v18 =	vld.idx.msk [tilespmem:v21+s13+$0x0], $0xffff;
	v21 =	vadd.f32 v25, v24;
	v24 =	vor.u32 $0x1, v47  }
0x2e4: {  	v5 =	vadd.f32 v7, v5;
	v7 =	vld.idx.msk [tilespmem:v12+s13+$0x0], $0xffff;
	v12 =	vor.u32 $0x1, v53  }
0x2e5: {  	v13 =	vld.idx.msk [tilespmem:v13+s13+$0x0], $0xffff;
	v15 =	vadd.f32 v58, v15;
	v25 =	vor.u32 $0x1, v52;
	v3 =	vadd.f32 v3, v14  }
0x2e6: {  	v2 =	vadd.f32 v17, v2;
	v11 =	vld.idx.msk [tilespmem:v11+s13+$0x0], $0xffff  }
0x2e7: {  	v10 =	vadd.f32 v10, v15;
	v17 =	vor.u32 $0x1, v45;
	v3 =	vadd.f32 v57, v3;
	v15 =	vld.idx.msk [tilespmem:v20+s13+$0x0], $0xffff  }
0x2e8: {  	v5 =	vadd.f32 v6, v5;
	v6 =	vld.idx.msk [tilespmem:v24+s13+$0x0], $0xffff  }
0x2e9: {  	v28 =	vadd.f32 v50, v28;
	v0 =	vadd.f32 v0, v3;
	v3 =	vld.idx.msk [tilespmem:v12+s13+$0x0], $0xffff  }
0x2ea: {  	v14 =	vor.u32 $0x1, v61;
	v1 =	vadd.f32 v16, v1;
	v2 =	vadd.f32 v8, v2;
	v8 =	vld.idx.msk [tilespmem:v25+s13+$0x0], $0xffff  }
0x2eb: {  	v16 =	vor.u32 $0x1, v39;
	v4 =	vadd.f32 v19, v4;
	v28 =	vadd.f32 v22, v28;
	v20 =	vld [tilespmem:$0x1F980]  }
0x2ec: {  	v5 =	vadd.f32 v11, v5;
	v11 =	vld.idx.msk [tilespmem:v17+s13+$0x0], $0xffff  }
0x2ed: {  	v4 =	vadd.f32 v18, v4;
	v18 =	vor.u32 $0x1, v43;
	v19 =	vadd.f32 v56, v28;
	v17 =	vld [tilespmem:$0x1FAF0]  }
0x2ee: {  	v9 =	vadd.f32 v9, v21;
	v21 =	vld [tilespmem:$0x1F830]  }
0x2ef: {  	v12 =	vor.u32 $0x1, v42;
	v14 =	vld.idx.msk [tilespmem:v14+s13+$0x0], $0xffff;
	v19 =	vadd.f32 v31, v19  }
0x2f0: {  	v7 =	vadd.f32 v7, v9;
	v9 =	vld.idx.msk [tilespmem:v16+s13+$0x0], $0xffff  }
0x2f1: {  	v10 =	vadd.f32 v13, v10;
	v13 =	vor.u32 $0x1, v44;
	v16 =	vadd.f32 v46, v19;
	v19 =	vld [tilespmem:$0x1FBE0]  }
0x2f2: {  	v0 =	vadd.f32 v17, v0;
	v17 =	vld.idx.msk [tilespmem:v18+s13+$0x0], $0xffff  }
0x2f3: {  	v20 =	vor.u32 $0x1, v20;
	v18 =	vld [tilespmem:$0x1FAA0]  }
0x2f4: {  	v12 =	vld.idx.msk [tilespmem:v12+s13+$0x0], $0xffff  }
0x2f5: {  	v4 =	vadd.f32 v14, v4;
	v14 =	vld [tilespmem:$0x1FA70]  }
0x2f6: {  	v10 =	vadd.f32 v15, v10;
	v15 =	vor.u32 $0x1, v26;
	v3 =	vadd.f32 v3, v5;
	v5 =	vld.idx.msk [tilespmem:v13+s13+$0x0], $0xffff  }
0x2f7: {  	v13 =	vld [tilespmem:$0x1FA20]  }
0x2f8: {  	v6 =	vadd.f32 v6, v7;
	v7 =	vld.idx.msk [tilespmem:v20+s13+$0x0], $0xffff;
	v18 =	vor.u32 $0x1, v18  }
0x2f9: {  	v1 =	vadd.f32 v59, v1;
	v4 =	vadd.f32 v8, v4;
	v20 =	vld [tilespmem:$0x1F7B0]  }
0x2fa: {  	v8 =	vor.u32 $0x1, v35;
	v6 =	vadd.f32 v11, v6;
	v11 =	vld [tilespmem:$0x1F7F0]  }
0x2fb: {  	v1 =	vadd.f32 v19, v1;
	v19 =	vor.u32 $0x1, v27;
	v4 =	vadd.f32 v12, v4;
	v12 =	vld.idx.msk [tilespmem:v15+s13+$0x0], $0xffff  }
0x2fc: {  	v15 =	vld [tilespmem:$0x1F900]  }
0x2fd: {  	v18 =	vld.idx.msk [tilespmem:v18+s13+$0x0], $0xffff  }
0x2fe: {  	v13 =	vadd.f32 v13, v16;
	v16 =	vld [tilespmem:$0x1FA50]  }
0x2ff: {  	v8 =	vld.idx.msk [tilespmem:v8+s13+$0x0], $0xffff  }
0x300: {  	v9 =	vadd.f32 v9, v10;
	v10 =	vld.idx.msk [tilespmem:v19+s13+$0x0], $0xffff  }
0x301: {  	v14 =	vor.u32 $0x1, v14;
	v3 =	vadd.f32 v17, v3;
	v17 =	vld [tilespmem:$0x1F940]  }
0x302: {  	v4 =	vadd.f32 v18, v4;
	v18 =	vld [tilespmem:$0x1F8A0]  }
0x303: {  	v5 =	vadd.f32 v5, v6;
	v20 =	vor.u32 $0x1, v20;
	v19 =	vld [tilespmem:$0x1F6B0]  }
0x304: {  	v11 =	vor.u32 $0x1, v11;
	v7 =	vadd.f32 v7, v9;
	v9 =	vld [tilespmem:$0x1F6F0]  }
0x305: {  	v13 =	vadd.f32 v30, v13;
	v15 =	vor.u32 $0x1, v15;
	v5 =	vadd.f32 v12, v5;
	v12 =	vld [tilespmem:$0x1F5F0]  }
0x306: {  	v14 =	vld.idx.msk [tilespmem:v14+s13+$0x0], $0xffff  }
0x307: {  	v13 =	vadd.f32 v18, v13;
	v18 =	vld [tilespmem:$0x1F8D0]  }
0x308: {  	v0 =	vadd.f32 v16, v0;
	v6 =	vld.idx.msk [tilespmem:v20+s13+$0x0], $0xffff  }
0x309: {  	v16 =	vor.u32 $0x1, v34;
	v11 =	vld.idx.msk [tilespmem:v11+s13+$0x0], $0xffff  }
0x30a: {  	v0 =	vadd.f32 v32, v0;
	v17 =	vor.u32 $0x1, v17;
	v15 =	vld.idx.msk [tilespmem:v15+s13+$0x0], $0xffff  }
0x30b: {  	v20 =	vld [tilespmem:$0x1F9D0]  }
0x30c: {  	v1 =	vadd.f32 v41, v1;
	v19 =	vor.u32 $0x1, v19;
	v0 =	vadd.f32 v18, v0;
	v18 =	vld [tilespmem:$0x1F860]  }
0x30d: {  	v9 =	vor.u32 $0x1, v9;
	v3 =	vadd.f32 v14, v3;
	v14 =	vld [tilespmem:$0x1F820]  }
0x30e: {  	v1 =	vadd.f32 v37, v1;
	v16 =	vld.idx.msk [tilespmem:v16+s13+$0x0], $0xffff  }
0x30f: {  	v17 =	vld.idx.msk [tilespmem:v17+s13+$0x0], $0xffff  }
0x310: {  	v1 =	vadd.f32 v20, v1;
	v20 =	vld [tilespmem:$0x1F5B0]  }
0x311: {  	v7 =	vadd.f32 v10, v7;
	v10 =	vld.idx.msk [tilespmem:v19+s13+$0x0], $0xffff;
	v18 =	vor.u32 $0x1, v18  }
0x312: {  	v3 =	vadd.f32 v8, v3;
	v8 =	vld.idx.msk [tilespmem:v9+s13+$0x0], $0xffff  }
0x313: {  	v12 =	vor.u32 $0x1, v12;
	v9 =	vld [tilespmem:$0x1F730]  }
0x314: {  	v19 =	vld [tilespmem:$0x1F910]  }
0x315: {  	v5 =	vadd.f32 v11, v5;
	v11 =	vld [tilespmem:$0x1F670]  }
0x316: {  	v18 =	vld.idx.msk [tilespmem:v18+s13+$0x0], $0xffff  }
0x317: {  	v2 =	vadd.f32 v49, v2;
	v4 =	vadd.f32 v16, v4;
	v16 =	vld [tilespmem:$0x1F7C0]  }
0x318: {  	v12 =	vld.idx.msk [tilespmem:v12+s13+$0x0], $0xffff  }
0x319: {  	v2 =	vadd.f32 v38, v2;
	v4 =	vadd.f32 v17, v4;
	v17 =	vld [tilespmem:$0x1F6C0]  }
0x31a: {  	v1 =	vadd.f32 v19, v1;
	v19 =	vld [tilespmem:$0x1F950]  }
0x31b: {  	v2 =	vadd.f32 v40, v2;
	v4 =	vadd.f32 v18, v4;
	v18 =	vld [tilespmem:$0x1F5C0]  }
0x31c: {  	v13 =	vadd.f32 v16, v13;
	v16 =	vld [tilespmem:$0x1F800]  }
0x31d: {  	v2 =	vadd.f32 v36, v2;
	v3 =	vadd.f32 v15, v3;
	v15 =	vld [tilespmem:$0x1FFA0];
	v14 =	vor.u32 $0x1, v14  }
0x31e: {  	v13 =	vadd.f32 v17, v13;
	v17 =	vld [tilespmem:$0x1F700]  }
0x31f: {  	v6 =	vadd.f32 v6, v7;
	v2 =	vadd.f32 v19, v2;
	v19 =	vld [tilespmem:$0x1F630]  }
0x320: {  	v13 =	vadd.f32 v18, v13;
	v18 =	vld [tilespmem:$0x1F600]  }
0x321: {  	v20 =	vor.u32 $0x1, v20;
	v6 =	vadd.f32 v10, v6;
	v10 =	vld [tilespmem:$0x1FCF0];
	v0 =	vadd.f32 v16, v0  }
0x322: {  	v14 =	vld.idx.msk [tilespmem:v14+s13+$0x0], $0xffff  }
0x323: {  	v9 =	vor.u32 $0x1, v9;
	v1 =	vadd.f32 v21, v1;
	v21 =	vld [tilespmem:$0x1F870];
	v0 =	vadd.f32 v17, v0  }
0x324: {  	v16 =	vld [tilespmem:$0x1F770];
	v19 =	vor.u32 $0x1, v19  }
0x325: {  	v18 =	vadd.f32 v18, v0;
	v0 =	vld [tilespmem:$0x1FD00]  }
0x326: {  	v7 =	vld.idx.msk [tilespmem:v20+s13+$0x0], $0xffff  }
0x327: {  	v11 =	vor.u32 $0x1, v11;
	v20 =	vld [tilespmem:$0x1FF50]  }
0x328: {  	v9 =	vld.idx.msk [tilespmem:v9+s13+$0x0], $0xffff  }
0x329: {  	v5 =	vadd.f32 v8, v5;
	v16 =	vor.u32 $0x1, v16;
	v8 =	vld.idx.msk [tilespmem:v19+s13+$0x0], $0xffff  }
0x32a: {  	v19 =	vadd.s32 s19, v0;
	v0 =	vld [tilespmem:$0x1F740]  }
0x32b: {  	v3 =	vadd.f32 v14, v3;
	v17 =	vld [tilespmem:$0x1FFD0]  }
0x32c: {  	v11 =	vld.idx.msk [tilespmem:v11+s13+$0x0], $0xffff;
	v6 =	vadd.f32 v7, v6  }
0x32d: {  	v7 =	vadd.f32 v12, v5;
	v5 =	vadd.f32 v9, v3;
	v3 =	vld [tilespmem:$0x1F640]  }
0x32e: {  	v16 =	vld.idx.msk [tilespmem:v16+s13+$0x0], $0xffff  }
0x32f: {  	v22 =	vadd.f32 v0, v1;
	v0 =	vld [tilespmem:$0x1F780]  }
0x330: {  	v14 =	vld [tilespmem:$0x1FCE0];
	v17 =	vadd.s32 s19, v17  }
0x331: {  	v2 =	vadd.f32 v21, v2;
	v21 =	vld [tilespmem:$0x1FFB0]  }
0x332: {  	v1 =	vld [tilespmem:$0x1FD10]  }
0x333: {  	v15 =	vadd.s32 s19, v15;
	v9 =	vadd.f32 v3, v22;
	v3 =	vld [tilespmem:$0x1F680]  }
0x334: {  	v4 =	vadd.f32 v16, v4;
	v23 =	vadd.f32 v0, v2;
	v2 =	vld [tilespmem:$0x1FD20]  }
0x335: {  	v10 =	vadd.s32 s19, v10;
	v26 =	vld.idx.msk [tilespmem:v17+s10+$0x0], $0xffff  }
0x336: {  	v8 =	vadd.f32 v8, v5;
	v5 =	vld [tilespmem:$0x1FD30];
	v11 =	vadd.f32 v11, v4  }
0x337: {  	v14 =	vadd.s32 s19, v14;
	v0 =	vld [tilespmem:$0x1FF80]  }
0x338: {  	v6 =	vadd.f32 v7, v6;
	v11 =	vadd.f32 v11, v8;
	v12 =	vadd.s32 s19, v1;
	v1 =	vld.idx.msk [tilespmem:v15+s10+$0x0], $0xffff  }
0x339: {  	v16 =	vadd.f32 v3, v23;
	v15 =	vadd.s32 s19, v2;
	v2 =	vld [tilespmem:$0x1FCC0]  }
0x33a: {  	v4 =	vld.idx.msk [tilespmem:v10+s10+$0x0], $0xffff;
	v6 =	vadd.f32 v11, v6  }
0x33b: {  	v21 =	vadd.s32 s19, v21;
	v11 =	vld [tilespmem:$0x1FD60];
	v10 =	vadd.f32 v18, v13;
	v9 =	vadd.f32 v16, v9  }
0x33c: {  	v20 =	vadd.s32 s19, v20;
	v16 =	vadd.s32 s19, v5;
	v5 =	vld.idx.msk [tilespmem:v14+s10+$0x0], $0xffff  }
0x33d: {  	s18 =	sadd.s32 $0x20, s18;
	v24 =	vadd.s32 s19, v0;
	v14 =	vadd.f32 v9, v10;
	v9 =	vld [tilespmem:$0x1FD40]  }
0x33e: {  	v10 =	vld [tilespmem:$0x1FD50];
	v17 =	vor.u32 s18, v2  }
0x33f: {  	v8 =	vld.idx.msk [tilespmem:v19+s10+$0x0], $0xffff  }
0x340: {  	v13 =	vor.u32 s18, v33;
	v3 =	vld.idx.msk [tilespmem:v21+s10+$0x0], $0xffff  }
0x341: {  	v0 =	vld.idx.msk [tilespmem:v20+s10+$0x0], $0xffff  }
0x342: {  	v18 =	vadd.s32 s19, v9;
	v9 =	vld.idx.msk [tilespmem:v24+s10+$0x0], $0xffff  }
0x343: {  	v19 =	vadd.s32 s19, v10;
	v10 =	vld.idx.msk [tilespmem:v12+s10+$0x0], $0xffff;
	[tilespmem:v17+s16+$0x0] =	vst.idx.msk $0xffff, v14  }
0x344: {  	v12 =	vadd.s32 s19, v11;
	v11 =	vld.idx.msk [tilespmem:v15+s10+$0x0], $0xffff  }
0x345: {  	[tilespmem:v13+s16+$0x0] =	vst.idx.msk $0xffff, v6;
	v6 =	vld [tilespmem:$0x1FF70];
	_ =	sdelay $0x1  }
0x346: {  	v13 =	vld [tilespmem:$0x1FD80];
	_ =	sdelay $0x2  }
0x347: {  	v6 =	vadd.s32 s19, v6  }
0x348: {  	v7 =	vld [tilespmem:$0x1FF90]  }
0x349: {  	v13 =	vadd.s32 s19, v13  }
0x34a: {  	v14 =	vld [tilespmem:$0x1FDC0];
	_ =	sdelay $0x1  }
0x34b: {  	v31 =	vld.idx.msk [tilespmem:v6+s10+$0x0], $0xffff  }
0x34c: {  	v7 =	vadd.s32 s19, v7;
	v6 =	vld [tilespmem:$0x1FDA0]  }
0x34d: {  	v24 =	vld.idx.msk [tilespmem:v13+s10+$0x0], $0xffff  }
0x34e: {  	v14 =	vadd.s32 s19, v14;
	v13 =	vld [tilespmem:$0x1FDD0];
	_ =	sdelay $0x2  }
0x34f: {  	v23 =	vld.idx.msk [tilespmem:v7+s10+$0x0], $0xffff;
	v6 =	vadd.s32 s19, v6  }
0x350: {  	v7 =	vld [tilespmem:$0x1FD70]  }
0x351: {  	v38 =	vld.idx.msk [tilespmem:v14+s10+$0x0], $0xffff;
	v13 =	vadd.s32 s19, v13  }
0x352: {  	v14 =	vld [tilespmem:$0x1FDE0];
	_ =	sdelay $0x1  }
0x353: {  	v21 =	vld.idx.msk [tilespmem:v6+s10+$0x0], $0xffff  }
0x354: {  	v7 =	vadd.s32 s19, v7;
	v6 =	vld [tilespmem:$0x1FF10]  }
0x355: {  	v25 =	vld.idx.msk [tilespmem:v13+s10+$0x0], $0xffff  }
0x356: {  	v14 =	vadd.s32 s19, v14;
	v13 =	vld [tilespmem:$0x1FE30];
	_ =	sdelay $0x1  }
0x357: {  	v22 =	vld.idx.msk [tilespmem:v16+s10+$0x0], $0xffff  }
0x358: {  	v47 =	vld.idx.msk [tilespmem:v7+s10+$0x0], $0xffff  }
0x359: {  	v7 =	vld [tilespmem:$0x1FDB0]  }
0x35a: {  	v6 =	vadd.s32 s19, v6;
	v16 =	vadd.s32 s19, v13;
	v13 =	vld.idx.msk [tilespmem:v14+s10+$0x0], $0xffff  }
0x35b: {  	v14 =	vld [tilespmem:$0x1FE20];
	_ =	sdelay $0x2  }
0x35c: {  	v7 =	vadd.s32 s19, v7  }
0x35d: {  	v42 =	vld.idx.msk [tilespmem:v6+s10+$0x0], $0xffff  }
0x35e: {  	v14 =	vadd.s32 s19, v14;
	v6 =	vld [tilespmem:$0x1FE40];
	_ =	sdelay $0x2  }
0x35f: {  	v32 =	vld.idx.msk [tilespmem:v7+s10+$0x0], $0xffff  }
0x360: {  	v7 =	vld [tilespmem:$0x1FE00]  }
0x361: {  	v6 =	vadd.s32 s19, v6;
	v52 =	vld.idx.msk [tilespmem:v14+s10+$0x0], $0xffff  }
0x362: {  	v14 =	vld [tilespmem:$0x1FE80];
	_ =	sdelay $0x2  }
0x363: {  	v7 =	vadd.s32 s19, v7  }
0x364: {  	v2 =	vld.idx.msk [tilespmem:v6+s10+$0x0], $0xffff  }
0x365: {  	v14 =	vadd.s32 s19, v14;
	v6 =	vld [tilespmem:$0x1FEB0];
	_ =	sdelay $0x2  }
0x366: {  	v36 =	vld.idx.msk [tilespmem:v7+s10+$0x0], $0xffff  }
0x367: {  	v7 =	vld [tilespmem:$0x1FE60]  }
0x368: {  	v6 =	vadd.s32 s19, v6;
	v49 =	vld.idx.msk [tilespmem:v14+s10+$0x0], $0xffff  }
0x369: {  	v14 =	vld [tilespmem:$0x1FEE0];
	_ =	sdelay $0x2  }
0x36a: {  	v7 =	vadd.s32 s19, v7  }
0x36b: {  	v59 =	vld.idx.msk [tilespmem:v6+s10+$0x0], $0xffff  }
0x36c: {  	v14 =	vadd.s32 s19, v14;
	v6 =	vld [tilespmem:$0x1FF00]  }
0x36d: {  	v50 =	vld [tilespmem:$0x1FF20]  }
0x36e: {  	v15 =	vld [tilespmem:$0x1FF60]  }
0x36f: {  	v0 =	vshll.u32 v0, $0x1;
	v61 =	vld.idx.msk [tilespmem:v7+s10+$0x0], $0xffff  }
0x370: {  	v7 =	vld [tilespmem:$0x1FED0]  }
0x371: {  	v6 =	vadd.s32 s19, v6;
	v58 =	vld.idx.msk [tilespmem:v14+s10+$0x0], $0xffff  }
0x372: {  	v34 =	vadd.s32 s19, v50;
	v14 =	vld [tilespmem:$0x1FFF0]  }
0x373: {  	v30 =	vld.idx.msk [tilespmem:v12+s10+$0x0], $0xffff  }
0x374: {  	v51 =	vshll.u32 v1, $0x1;
	[tilespmem:$0x1F5B0] =	vst v0;
	v0 =	vld.idx.msk [tilespmem:v0+s13+$0x0], $0xffff  }
0x375: {  	v12 =	vld [tilespmem:$0x1FD90];
	v7 =	vadd.s32 s19, v7  }
0x376: {  	v50 =	vld.idx.msk [tilespmem:v6+s10+$0x0], $0xffff  }
0x377: {  	v14 =	vadd.s32 s19, v14;
	v6 =	vld.idx.msk [tilespmem:v34+s10+$0x0], $0xffff;
	_ =	sdelay $0x1  }
0x378: {  	v15 =	vadd.s32 s19, v15;
	[tilespmem:$0x1F5C0] =	vst v0;
	v0 =	vld.idx.msk [tilespmem:v51+s13+$0x0], $0xffff  }
0x379: {  	v63 =	vld.idx.msk [tilespmem:v7+s10+$0x0], $0xffff  }
0x37a: {  	v12 =	vadd.s32 s19, v12;
	v7 =	vld [tilespmem:$0x1FF30]  }
0x37b: {  	[tilespmem:$0x1F2D0] =	vst v6;
	v6 =	vshll.u32 v26, $0x1;
	v1 =	vld.idx.msk [tilespmem:v14+s10+$0x0], $0xffff;
	_ =	sdelay $0x1  }
0x37c: {  	v33 =	vld.idx.msk [tilespmem:v15+s10+$0x0], $0xffff  }
0x37d: {  	v15 =	vld [tilespmem:$0x1FDF0]  }
0x37e: {  	v20 =	vld.idx.msk [tilespmem:v12+s10+$0x0], $0xffff;
	[tilespmem:$0x1F600] =	vst v0;
	v7 =	vadd.s32 s19, v7  }
0x37f: {  	[tilespmem:$0x1F2E0] =	vst v1;
	v1 =	vshll.u32 v3, $0x1;
	v0 =	vld.idx.msk [tilespmem:v6+s13+$0x0], $0xffff  }
0x380: {  	v12 =	vld [tilespmem:$0x1FE10];
	_ =	sdelay $0x1  }
0x381: {  	v15 =	vadd.s32 s19, v15  }
0x382: {  	v55 =	vld.idx.msk [tilespmem:v7+s10+$0x0], $0xffff  }
0x383: {  	v7 =	vshll.u32 v4, $0x1;
	[tilespmem:$0x1F640] =	vst v0;
	v0 =	vld.idx.msk [tilespmem:v1+s13+$0x0], $0xffff  }
0x384: {  	v12 =	vadd.s32 s19, v12;
	_ =	sdelay $0x1  }
0x385: {  	v28 =	vld.idx.msk [tilespmem:v15+s10+$0x0], $0xffff  }
0x386: {  	v15 =	vld [tilespmem:$0x1FE70]  }
0x387: {  	v5 =	vshll.u32 v5, $0x1;
	[tilespmem:$0x1F680] =	vst v0;
	v0 =	vld.idx.msk [tilespmem:v7+s13+$0x0], $0xffff  }
0x388: {  	v29 =	vld.idx.msk [tilespmem:v12+s10+$0x0], $0xffff  }
0x389: {  	v12 =	vld [tilespmem:$0x1FFE0];
	_ =	sdelay $0x1  }
0x38a: {  	v15 =	vadd.s32 s19, v15  }
0x38b: {  	v4 =	vshll.u32 v8, $0x1;
	[tilespmem:$0x1F6C0] =	vst v0;
	v0 =	vld.idx.msk [tilespmem:v5+s13+$0x0], $0xffff;
	_ =	sdelay $0x1  }
0x38c: {  	v17 =	vadd.s32 s19, v12;
	_ =	sdelay $0x1  }
0x38d: {  	v41 =	vld.idx.msk [tilespmem:v15+s10+$0x0], $0xffff  }
0x38e: {  	v3 =	vshll.u32 v9, $0x1;
	[tilespmem:$0x1F700] =	vst v0;
	v0 =	vld.idx.msk [tilespmem:v4+s13+$0x0], $0xffff  }
0x38f: {  	v15 =	vld [tilespmem:$0x1FE90]  }
0x390: {  	v37 =	vld.idx.msk [tilespmem:v17+s10+$0x0], $0xffff  }
0x391: {  	v17 =	vld [tilespmem:$0x1FEA0];
	_ =	sdelay $0x1  }
0x392: {  	v9 =	vshll.u32 v10, $0x1;
	[tilespmem:$0x1F740] =	vst v0;
	v0 =	vld.idx.msk [tilespmem:v3+s13+$0x0], $0xffff  }
0x393: {  	v15 =	vadd.s32 s19, v15;
	_ =	sdelay $0x1  }
0x394: {  	v12 =	vld.idx.msk [tilespmem:v16+s10+$0x0], $0xffff;
	v17 =	vadd.s32 s19, v17  }
0x395: {  	v16 =	vld [tilespmem:$0x1FE50]  }
0x396: {  	v8 =	vshll.u32 v11, $0x1;
	[tilespmem:$0x1F780] =	vst v0;
	v0 =	vld.idx.msk [tilespmem:v9+s13+$0x0], $0xffff  }
0x397: {  	v56 =	vld.idx.msk [tilespmem:v15+s10+$0x0], $0xffff  }
0x398: {  	v15 =	vld [tilespmem:$0x1FFC0]  }
0x399: {  	v57 =	vld.idx.msk [tilespmem:v17+s10+$0x0], $0xffff  }
0x39a: {  	v16 =	vadd.s32 s19, v16;
	v17 =	vld [tilespmem:$0x1FEF0];
	[tilespmem:$0x1F630] =	vst v6  }
0x39b: {  	v6 =	vshll.u32 v22, $0x1;
	[tilespmem:$0x1F7C0] =	vst v0;
	v0 =	vld.idx.msk [tilespmem:v8+s13+$0x0], $0xffff;
	_ =	sdelay $0x1  }
0x39c: {  	v18 =	vld.idx.msk [tilespmem:v18+s10+$0x0], $0xffff;
	v15 =	vadd.s32 s19, v15  }
0x39d: {  	v19 =	vld.idx.msk [tilespmem:v19+s10+$0x0], $0xffff  }
0x39e: {  	v60 =	vld.idx.msk [tilespmem:v16+s10+$0x0], $0xffff;
	v17 =	vadd.s32 s19, v17;
	[tilespmem:$0x1F670] =	vst v1  }
0x39f: {  	v1 =	vshll.u32 v23, $0x1;
	[tilespmem:$0x1F800] =	vst v0;
	v0 =	vld.idx.msk [tilespmem:v6+s13+$0x0], $0xffff  }
0x3a0: {  	v16 =	vld [tilespmem:$0x1FEC0]  }
0x3a1: {  	v48 =	vshll.u32 v13, $0x1;
	v62 =	vld.idx.msk [tilespmem:v15+s10+$0x0], $0xffff  }
0x3a2: {  	v43 =	vshll.u32 v29, $0x1;
	v15 =	vld [tilespmem:$0x1FF40]  }
0x3a3: {  	v42 =	vshll.u32 v42, $0x1;
	v17 =	vld.idx.msk [tilespmem:v17+s10+$0x0], $0xffff  }
0x3a4: {  	v27 =	vshll.u32 v18, $0x1;
	[tilespmem:$0x1F830] =	vst v0;
	v0 =	vld.idx.msk [tilespmem:v1+s13+$0x0], $0xffff  }
0x3a5: {  	v16 =	vadd.s32 s19, v16  }
0x3a6: {  	v46 =	vld.idx.msk [tilespmem:v48+s13+$0x0], $0xffff  }
0x3a7: {  	v53 =	vshll.u32 v52, $0x1;
	v52 =	vshll.u32 v41, $0x1;
	v41 =	vld.idx.msk [tilespmem:v43+s13+$0x0], $0xffff;
	v15 =	vadd.s32 s19, v15  }
0x3a8: {  	v35 =	vshll.u32 v38, $0x1;
	v38 =	vld.idx.msk [tilespmem:v42+s13+$0x0], $0xffff;
	v18 =	vshll.u32 v17, $0x1  }
0x3a9: {  	v26 =	vshll.u32 v19, $0x1;
	[tilespmem:$0x1F870] =	vst v0;
	v0 =	vld.idx.msk [tilespmem:v27+s13+$0x0], $0xffff  }
0x3aa: {  	v60 =	vshll.u32 v60, $0x1;
	v16 =	vld.idx.msk [tilespmem:v16+s10+$0x0], $0xffff  }
0x3ab: {  	v45 =	vshll.u32 v21, $0x1;
	v21 =	vshll.u32 v59, $0x1;
	v11 =	vshll.u32 v2, $0x1;
	v2 =	vld [tilespmem:$0x1F2E0]  }
0x3ac: {  	v54 =	vld.idx.msk [tilespmem:v15+s10+$0x0], $0xffff;
	v15 =	vshll.u32 v62, $0x1  }
0x3ad: {  	[tilespmem:$0x1F730] =	vst v4;
	v14 =	vshll.u32 v58, $0x1;
	v58 =	vld.idx.msk [tilespmem:v18+s13+$0x0], $0xffff;
	v18 =	vor.u32 $0x1, v18  }
0x3ae: {  	v4 =	vshll.u32 v30, $0x1;
	[tilespmem:$0x1F8A0] =	vst v0;
	v0 =	vld.idx.msk [tilespmem:v26+s13+$0x0], $0xffff  }
0x3af: {  	v59 =	vld.idx.msk [tilespmem:v60+s13+$0x0], $0xffff;
	v10 =	vshll.u32 v37, $0x1  }
0x3b0: {  	v44 =	vshll.u32 v47, $0x1;
	v47 =	vshll.u32 v28, $0x1;
	v17 =	vld.idx.msk [tilespmem:v21+s13+$0x0], $0xffff;
	v28 =	vshll.u32 v2, $0x1  }
0x3b1: {  	v39 =	vshll.u32 v20, $0x1;
	v20 =	vld.idx.msk [tilespmem:v15+s13+$0x0], $0xffff;
	v29 =	vshll.u32 v54, $0x1  }
0x3b2: {  	v34 =	vshll.u32 v33, $0x1;
	v22 =	vld.idx.msk [tilespmem:v18+s13+$0x0], $0xffff;
	[tilespmem:$0x1F770] =	vst v3  }
0x3b3: {  	v3 =	vshll.u32 v31, $0x1;
	[tilespmem:$0x1F8D0] =	vst v0;
	v0 =	vld.idx.msk [tilespmem:v4+s13+$0x0], $0xffff  }
0x3b4: {  	v13 =	vshll.u32 v12, $0x1;
	[tilespmem:$0x1F6B0] =	vst v7;
	v7 =	vshll.u32 v56, $0x1;
	v56 =	vld.idx.msk [tilespmem:v10+s13+$0x0], $0xffff  }
0x3b5: {  	v61 =	vshll.u32 v61, $0x1;
	v33 =	vld.idx.msk [tilespmem:v28+s13+$0x0], $0xffff  }
0x3b6: {  	[tilespmem:$0x1F6F0] =	vst v5;
	v19 =	vshll.u32 v50, $0x1;
	v37 =	vor.u32 $0x1, v28;
	v28 =	vor.u32 $0x1, v29;
	v29 =	vld.idx.msk [tilespmem:v29+s13+$0x0], $0xffff  }
0x3b7: {  	[tilespmem:$0x1F860] =	vst v1;
	v30 =	vld.idx.msk [tilespmem:v34+s13+$0x0], $0xffff;
	v1 =	vshll.u32 v32, $0x1  }
0x3b8: {  	v5 =	vshll.u32 v24, $0x1;
	[tilespmem:$0x1F910] =	vst v0;
	v0 =	vld.idx.msk [tilespmem:v3+s13+$0x0], $0xffff  }
0x3b9: {  	v31 =	vld.idx.msk [tilespmem:v13+s13+$0x0], $0xffff  }
0x3ba: {  	[tilespmem:$0x1F7F0] =	vst v8;
	v8 =	vld.idx.msk [tilespmem:v61+s13+$0x0], $0xffff  }
0x3bb: {  	[tilespmem:$0x1F820] =	vst v6;
	v32 =	vld.idx.msk [tilespmem:v19+s13+$0x0], $0xffff;
	v19 =	vor.u32 $0x1, v19  }
0x3bc: {  	[tilespmem:$0x1F980] =	vst v5;
	v6 =	vshll.u32 v57, $0x1;
	v40 =	vld.idx.msk [tilespmem:v1+s13+$0x0], $0xffff  }
0x3bd: {  	[tilespmem:$0x1F950] =	vst v0;
	v0 =	vld.idx.msk [tilespmem:v5+s13+$0x0], $0xffff  }
0x3be: {  	[tilespmem:$0x1FAA0] =	vst v1;
	v1 =	vld.idx.msk [tilespmem:v53+s13+$0x0], $0xffff;
	v5 =	vshll.u32 v49, $0x1  }
0x3bf: {  	[tilespmem:$0x1F900] =	vst v4;
	v57 =	vld.idx.msk [tilespmem:v11+s13+$0x0], $0xffff;
	v4 =	vshll.u32 v16, $0x1  }
0x3c0: {  	v23 =	vld.idx.msk [tilespmem:v19+s13+$0x0], $0xffff  }
0x3c1: {  	v16 =	vld.idx.msk [tilespmem:v6+s13+$0x0], $0xffff  }
0x3c2: {  	[tilespmem:$0x1F2F0] =	vst v0;
	v0 =	vld.idx.msk [tilespmem:v44+s13+$0x0], $0xffff  }
0x3c3: {  	[tilespmem:$0x1FBE0] =	vst v1;
	v1 =	vld.idx.msk [tilespmem:v5+s13+$0x0], $0xffff  }
0x3c4: {  	v62 =	vor.u32 $0x1, v4;
	v50 =	vld.idx.msk [tilespmem:v4+s13+$0x0], $0xffff  }
0x3c5: {  	[tilespmem:$0x1F940] =	vst v3;
	v3 =	vshll.u32 v25, $0x1;
	v25 =	vshll.u32 v55, $0x1;
	v55 =	vld.idx.msk [tilespmem:v37+s13+$0x0], $0xffff  }
0x3c6: {  	[tilespmem:$0x1F7B0] =	vst v9;
	v4 =	vld.idx.msk [tilespmem:v28+s13+$0x0], $0xffff  }
0x3c7: {  	[tilespmem:$0x1F300] =	vst v0;
	v0 =	vld.idx.msk [tilespmem:v35+s13+$0x0], $0xffff  }
0x3c8: {  	v9 =	vshll.u32 v63, $0x1;
	[tilespmem:$0x1F500] =	vst v1;
	v1 =	vld [tilespmem:$0x1F2D0]  }
0x3c9: {  	v62 =	vld.idx.msk [tilespmem:v62+s13+$0x0], $0xffff  }
0x3ca: {  	[tilespmem:$0x1F5F0] =	vst v51;
	v51 =	vld.idx.msk [tilespmem:v3+s13+$0x0], $0xffff  }
0x3cb: {  	v49 =	vld.idx.msk [tilespmem:v52+s13+$0x0], $0xffff;
	v37 =	vor.u32 $0x1, v5  }
0x3cc: {  	[tilespmem:$0x1F9D0] =	vst v0;
	v0 =	vld.idx.msk [tilespmem:v39+s13+$0x0], $0xffff  }
0x3cd: {  	v24 =	vshll.u32 v1, $0x1;
	v1 =	vld.idx.msk [tilespmem:v9+s13+$0x0], $0xffff  }
0x3ce: {  	[tilespmem:$0x1FA70] =	vst v3;
	v3 =	vld.idx.msk [tilespmem:v7+s13+$0x0], $0xffff  }
0x3cf: {  	v54 =	vld.idx.msk [tilespmem:v25+s13+$0x0], $0xffff;
	v9 =	vor.u32 $0x1, v9  }
0x3d0: {  	v12 =	vshll.u32 v36, $0x1;
	v28 =	vadd.f32 $0.0e+00, v58;
	v36 =	vor.u32 $0x1, v25;
	v58 =	vld.idx.msk [tilespmem:v37+s13+$0x0], $0xffff  }
0x3d1: {  	[tilespmem:$0x1FA20] =	vst v0;
	v0 =	vld.idx.msk [tilespmem:v45+s13+$0x0], $0xffff  }
0x3d2: {  	[tilespmem:$0x1F470] =	vst v1;
	v1 =	vld.idx.msk [tilespmem:v14+s13+$0x0], $0xffff  }
0x3d3: {  	v2 =	vld.idx.msk [tilespmem:v24+s13+$0x0], $0xffff  }
0x3d4: {  	v18 =	vor.u32 $0x1, v24;
	v63 =	vld.idx.msk [tilespmem:v9+s13+$0x0], $0xffff  }
0x3d5: {  	v9 =	vld.idx.msk [tilespmem:v36+s13+$0x0], $0xffff  }
0x3d6: {  	p0 =	sne.s32 s19, $0x60E0;
	[tilespmem:$0x1FA50] =	vst v0;
	v0 =	vld.idx.msk [tilespmem:v47+s13+$0x0], $0xffff  }
.Ltmp1:
0x3d7: {  	v36 =	vmov v30;
	v30 =	vld [tilespmem:$0x1F2F0];
	(pc) =	sbr.rel @p0 .LBB2_4-.Ltmp1, $4  }
0x3d8: {  	v25 =	vor.u32 $0x1, v7;
	v7 =	vor.u32 $0x1, v14;
	v14 =	vadd.f32 $0.0e+00, v32;
	v32 =	vld [tilespmem:$0x1F300]  }
0x3d9: {  	v10 =	vor.u32 $0x1, v10;
	v5 =	vld.idx.msk [tilespmem:v18+s13+$0x0], $0xffff  }
0x3da: {  	v11 =	vor.u32 $0x1, v11;
	v19 =	vadd.f32 $0.0e+00, v29;
	v18 =	vadd.f32 $0.0e+00, v33;
	v33 =	vld [tilespmem:$0x1FCD0]  }
0x3db: {  	s19 =	sadd.s32 $0x320, s19;
	v29 =	vadd.f32 $0.0e+00, v23;
	v37 =	vmovc v51;
	v24 =	vor.u32 $0x1, v15;
	v15 =	vadd.f32 $0.0e+00, v22;
	[tilespmem:$0x1FAF0] =	vst v0;
	v0 =	vld.idx.msk [tilespmem:v12+s13+$0x0], $0xffff  }
0x3dc: {  	_ =	sdelay $0x2  }
0x3dd: {  	v23 =	vld [tilespmem:$0x1F470]  }
0x3de: {  	v2 =	vadd.f32 v2, v18;
	v18 =	vadd.f32 v54, v19;
	v19 =	vld.idx.msk [tilespmem:v25+s13+$0x0], $0xffff  }
0x3df: {  	v7 =	vld.idx.msk [tilespmem:v7+s13+$0x0], $0xffff  }
0x3e0: {  	v4 =	vadd.f32 $0.0e+00, v4;
	v21 =	vor.u32 $0x1, v21;
	v24 =	vld.idx.msk [tilespmem:v24+s13+$0x0], $0xffff  }
0x3e1: {  	v13 =	vor.u32 $0x1, v13;
	v11 =	vld.idx.msk [tilespmem:v11+s13+$0x0], $0xffff  }
0x3e2: {  	v6 =	vor.u32 $0x1, v6;
	v4 =	vadd.f32 v9, v4;
	v9 =	vld.idx.msk [tilespmem:v10+s13+$0x0], $0xffff  }
0x3e3: {  	v10 =	vor.u32 $0x1, v12;
	v12 =	vld [tilespmem:$0x1F500]  }
0x3e4: {  	v22 =	vadd.f32 v50, v28;
	v50 =	vadd.f32 v20, v18;
	v18 =	vor.u32 $0x1, v61;
	v61 =	vld [tilespmem:$0x1FCC0]  }
0x3e5: {  	v15 =	vadd.f32 v62, v15;
	v14 =	vadd.f32 v23, v14;
	v20 =	vld.idx.msk [tilespmem:v21+s13+$0x0], $0xffff;
	v21 =	vor.u32 $0x1, v48  }
0x3e6: {  	v25 =	vadd.f32 v63, v29;
	v1 =	vadd.f32 v1, v2;
	v51 =	vld.idx.msk [tilespmem:v13+s13+$0x0], $0xffff;
	v13 =	vor.u32 $0x1, v47  }
0x3e7: {  	v15 =	vadd.f32 v58, v15;
	v6 =	vld.idx.msk [tilespmem:v6+s13+$0x0], $0xffff;
	v3 =	vadd.f32 v3, v14;
	v14 =	vor.u32 $0x1, v60  }
0x3e8: {  	v1 =	vadd.f32 v16, v1;
	v16 =	vor.u32 $0x1, v52;
	v23 =	vadd.f32 $0.0e+00, v55;
	v10 =	vld.idx.msk [tilespmem:v10+s13+$0x0], $0xffff  }
0x3e9: {  	v19 =	vadd.f32 v19, v25;
	v9 =	vadd.f32 v9, v15;
	v15 =	vld.idx.msk [tilespmem:v18+s13+$0x0], $0xffff  }
0x3ea: {  	v5 =	vadd.f32 v5, v23;
	v12 =	vadd.f32 v12, v22;
	v22 =	vor.u32 $0x1, v53;
	v53 =	vld.idx.msk [tilespmem:v21+s13+$0x0], $0xffff  }
0x3eb: {  	v11 =	vadd.f32 v11, v19;
	v54 =	vld.idx.msk [tilespmem:v13+s13+$0x0], $0xffff  }
0x3ec: {  	v2 =	vadd.f32 v17, v50;
	v5 =	vadd.f32 v7, v5;
	v13 =	vor.u32 $0x1, v43;
	v14 =	vld.idx.msk [tilespmem:v14+s13+$0x0], $0xffff  }
0x3ed: {  	v17 =	vor.u32 $0x1, v39;
	v7 =	vadd.f32 v51, v9;
	v9 =	vadd.f32 v10, v11;
	v10 =	vld.idx.msk [tilespmem:v16+s13+$0x0], $0xffff  }
0x3ee: {  	v18 =	vor.u32 $0x1, v45;
	v16 =	vld [tilespmem:$0x1FAF0]  }
0x3ef: {  	v3 =	vadd.f32 v57, v3;
	v11 =	vld [tilespmem:$0x1F980]  }
0x3f0: {  	v2 =	vadd.f32 v8, v2;
	v5 =	vadd.f32 v6, v5;
	v8 =	vld.idx.msk [tilespmem:v22+s13+$0x0], $0xffff  }
0x3f1: {  	v0 =	vadd.f32 v0, v3;
	v13 =	vld.idx.msk [tilespmem:v13+s13+$0x0], $0xffff;
	v3 =	vadd.f32 v54, v9;
	v9 =	vor.u32 $0x1, v27  }
0x3f2: {  	v5 =	vadd.f32 v14, v5;
	v14 =	vld.idx.msk [tilespmem:v17+s13+$0x0], $0xffff  }
0x3f3: {  	v4 =	vadd.f32 v24, v4;
	v0 =	vadd.f32 v16, v0;
	v16 =	vld.idx.msk [tilespmem:v18+s13+$0x0], $0xffff  }
0x3f4: {  	v11 =	vor.u32 $0x1, v11;
	v17 =	vld [tilespmem:$0x1FA70]  }
0x3f5: {  	v4 =	vadd.f32 v20, v4;
	v18 =	vld [tilespmem:$0x1FBE0]  }
0x3f6: {  	v19 =	vor.u32 $0x1, v42;
	v12 =	vadd.f32 v56, v12;
	v5 =	vadd.f32 v8, v5;
	v56 =	vld.idx.msk [tilespmem:v9+s13+$0x0], $0xffff  }
0x3f7: {  	v4 =	vadd.f32 v15, v4;
	v9 =	vld [tilespmem:$0x1F7F0]  }
0x3f8: {  	v5 =	vadd.f32 v13, v5;
	v13 =	vld [tilespmem:$0x1F900]  }
0x3f9: {  	v4 =	vadd.f32 v10, v4;
	v10 =	vor.u32 $0x1, v26;
	v8 =	vld.idx.msk [tilespmem:v11+s13+$0x0], $0xffff  }
0x3fa: {  	v1 =	vadd.f32 v59, v1;
	v12 =	vadd.f32 v31, v12;
	v11 =	vld [tilespmem:$0x1FA20]  }
0x3fb: {  	v55 =	vld.idx.msk [tilespmem:v19+s13+$0x0], $0xffff;
	v17 =	vor.u32 $0x1, v17  }
0x3fc: {  	v19 =	vor.u32 $0x1, v34;
	v12 =	vadd.f32 v46, v12;
	v1 =	vadd.f32 v18, v1;
	v18 =	vld [tilespmem:$0x1FAA0]  }
0x3fd: {  	v6 =	vadd.f32 v53, v7;
	v3 =	vadd.f32 v16, v3;
	v16 =	vld [tilespmem:$0x1F7B0]  }
0x3fe: {  	v10 =	vld.idx.msk [tilespmem:v10+s13+$0x0], $0xffff;
	v9 =	vor.u32 $0x1, v9  }
0x3ff: {  	v6 =	vadd.f32 v14, v6;
	v13 =	vor.u32 $0x1, v13;
	v11 =	vadd.f32 v11, v12;
	v12 =	vld [tilespmem:$0x1FA50]  }
0x400: {  	v15 =	vor.u32 $0x1, v44;
	v17 =	vld.idx.msk [tilespmem:v17+s13+$0x0], $0xffff  }
0x401: {  	v6 =	vadd.f32 v8, v6;
	v8 =	vld.idx.msk [tilespmem:v19+s13+$0x0], $0xffff  }
0x402: {  	v18 =	vor.u32 $0x1, v18;
	v19 =	vld [tilespmem:$0x1F9D0]  }
0x403: {  	v9 =	vld.idx.msk [tilespmem:v9+s13+$0x0], $0xffff  }
0x404: {  	v13 =	vld.idx.msk [tilespmem:v13+s13+$0x0], $0xffff  }
0x405: {  	v1 =	vadd.f32 v41, v1;
	v0 =	vadd.f32 v12, v0;
	v12 =	vld.idx.msk [tilespmem:v15+s13+$0x0], $0xffff;
	v15 =	vor.u32 $0x1, v35  }
0x406: {  	v5 =	vadd.f32 v17, v5;
	v17 =	vld [tilespmem:$0x1F8A0]  }
0x407: {  	v1 =	vadd.f32 v37, v1;
	v16 =	vor.u32 $0x1, v16;
	v14 =	vld.idx.msk [tilespmem:v18+s13+$0x0], $0xffff  }
0x408: {  	v18 =	vld [tilespmem:$0x1F940]  }
0x409: {  	v11 =	vadd.f32 v30, v11;
	v1 =	vadd.f32 v19, v1;
	v19 =	vld [tilespmem:$0x1F860]  }
0x40a: {  	v4 =	vadd.f32 v55, v4;
	v15 =	vld.idx.msk [tilespmem:v15+s13+$0x0], $0xffff  }
0x40b: {  	v11 =	vadd.f32 v17, v11;
	v17 =	vld [tilespmem:$0x1F8D0]  }
0x40c: {  	v4 =	vadd.f32 v14, v4;
	v14 =	vld.idx.msk [tilespmem:v16+s13+$0x0], $0xffff  }
0x40d: {  	v18 =	vor.u32 $0x1, v18;
	v3 =	vadd.f32 v12, v3;
	v12 =	vld [tilespmem:$0x1F6B0]  }
0x40e: {  	v0 =	vadd.f32 v32, v0;
	v16 =	vld [tilespmem:$0x1F6F0]  }
0x40f: {  	v6 =	vadd.f32 v56, v6;
	v3 =	vadd.f32 v10, v3;
	v10 =	vld [tilespmem:$0x1F5B0]  }
0x410: {  	v19 =	vor.u32 $0x1, v19;
	v0 =	vadd.f32 v17, v0;
	v17 =	vld [tilespmem:$0x1F820]  }
0x411: {  	v6 =	vadd.f32 v14, v6;
	v14 =	vld [tilespmem:$0x1F630]  }
0x412: {  	v12 =	vor.u32 $0x1, v12;
	v57 =	vld.idx.msk [tilespmem:v18+s13+$0x0], $0xffff  }
0x413: {  	v5 =	vadd.f32 v15, v5;
	v15 =	vld [tilespmem:$0x1F7C0]  }
0x414: {  	v18 =	vld [tilespmem:$0x1F910]  }
0x415: {  	v3 =	vadd.f32 v9, v3;
	v9 =	vld.idx.msk [tilespmem:v19+s13+$0x0], $0xffff  }
0x416: {  	v5 =	vadd.f32 v13, v5;
	v13 =	vld [tilespmem:$0x1F6C0];
	v14 =	vor.u32 $0x1, v14  }
0x417: {  	v4 =	vadd.f32 v8, v4;
	v8 =	vld.idx.msk [tilespmem:v12+s13+$0x0], $0xffff  }
0x418: {  	v2 =	vadd.f32 v49, v2;
	v12 =	vld [tilespmem:$0x1F5F0]  }
0x419: {  	v16 =	vor.u32 $0x1, v16;
	v11 =	vadd.f32 v15, v11;
	v15 =	vld [tilespmem:$0x1F800];
	v4 =	vadd.f32 v57, v4  }
0x41a: {  	v2 =	vadd.f32 v38, v2;
	v1 =	vadd.f32 v18, v1;
	v18 =	vld [tilespmem:$0x1F950]  }
0x41b: {  	v4 =	vadd.f32 v9, v4;
	v9 =	vld.idx.msk [tilespmem:v14+s13+$0x0], $0xffff  }
0x41c: {  	v2 =	vadd.f32 v40, v2;
	v14 =	vld [tilespmem:$0x1F5C0]  }
0x41d: {  	v11 =	vadd.f32 v13, v11;
	v13 =	vld [tilespmem:$0x1F700]  }
0x41e: {  	v2 =	vadd.f32 v36, v2;
	v10 =	vor.u32 $0x1, v10;
	v0 =	vadd.f32 v15, v0;
	v15 =	vld.idx.msk [tilespmem:v16+s13+$0x0], $0xffff  }
0x41f: {  	v16 =	vld [tilespmem:$0x1F730]  }
0x420: {  	v2 =	vadd.f32 v18, v2;
	v18 =	vld [tilespmem:$0x1F770]  }
0x421: {  	v11 =	vadd.f32 v14, v11;
	v14 =	vld [tilespmem:$0x1F600]  }
0x422: {  	v0 =	vadd.f32 v13, v0;
	v13 =	vld [tilespmem:$0x1F830]  }
0x423: {  	v17 =	vor.u32 $0x1, v17;
	v58 =	vld.idx.msk [tilespmem:v10+s13+$0x0], $0xffff  }
0x424: {  	v10 =	vld [tilespmem:$0x1F670];
	v12 =	vor.u32 $0x1, v12  }
0x425: {  	v59 =	vld [tilespmem:$0x1F640];
	v18 =	vor.u32 $0x1, v18  }
0x426: {  	v0 =	vadd.f32 v14, v0;
	v14 =	vld [tilespmem:$0x1F740]  }
0x427: {  	v16 =	vor.u32 $0x1, v16;
	v1 =	vadd.f32 v13, v1;
	v13 =	vld [tilespmem:$0x1F870]  }
0x428: {  	v17 =	vld.idx.msk [tilespmem:v17+s13+$0x0], $0xffff  }
0x429: {  	v10 =	vor.u32 $0x1, v10;
	v12 =	vld.idx.msk [tilespmem:v12+s13+$0x0], $0xffff  }
0x42a: {  	v6 =	vadd.f32 v8, v6;
	v8 =	vld.idx.msk [tilespmem:v18+s13+$0x0], $0xffff  }
0x42b: {  	v1 =	vadd.f32 v14, v1;
	v14 =	vld [tilespmem:$0x1F780]  }
0x42c: {  	v2 =	vadd.f32 v13, v2;
	v13 =	vld.idx.msk [tilespmem:v16+s13+$0x0], $0xffff  }
0x42d: {  	v60 =	vld [tilespmem:$0x1F680]  }
0x42e: {  	v3 =	vadd.f32 v15, v3;
	v10 =	vld.idx.msk [tilespmem:v10+s13+$0x0], $0xffff  }
0x42f: {  	v6 =	vadd.f32 v58, v6;
	v5 =	vadd.f32 v17, v5  }
0x430: {  	v3 =	vadd.f32 v12, v3;
	v2 =	vadd.f32 v14, v2  }
0x431: {  	v4 =	vadd.f32 v8, v4;
	v5 =	vadd.f32 v13, v5  }
0x432: {  	s18 =	sadd.s32 $0x20, s18;
	v1 =	vadd.f32 v59, v1;
	v2 =	vadd.f32 v60, v2  }
0x433: {  	v7 =	vor.u32 s18, v61;
	v4 =	vadd.f32 v10, v4;
	v5 =	vadd.f32 v9, v5  }
0x434: {  	v62 =	vor.u32 s18, v33;
	v0 =	vadd.f32 v0, v11;
	v1 =	vadd.f32 v2, v1  }
0x435: {  	v3 =	vadd.f32 v3, v6;
	v4 =	vadd.f32 v4, v5  }
0x436: {  	v0 =	vadd.f32 v1, v0  }
0x437: {  	v63 =	vadd.f32 v4, v3  }
0x438: {  	[tilespmem:v7+s16+$0x0] =	vst.idx.msk $0xffff, v0  }
0x439: {  	[tilespmem:v62+s16+$0x0] =	vst.idx.msk $0xffff, v63  }
0x43a: {  	[hbm4b:s8+s3] =	stream.linear.scatter [tilespmem:s16], [sflag:$0x2], $0x400, $0x38;
	[tilespmem:$0x7700] =	vst v63  }
0x43b: {  	_ =	swait.ge [sflag:s11], $0x400  }
0x43c: {  	v61 =	vld [tilespmem:$0x1FFF0]  }
0x43d: {  	v49 =	vld [tilespmem:$0x1FF40]  }
0x43e: {  	v43 =	vld [tilespmem:$0x1FEF0]  }
0x43f: {  	v44 =	vld [tilespmem:$0x1FF00]  }
0x440: {  	v46 =	vld [tilespmem:$0x1FF20]  }
0x441: {  	v47 =	vld [tilespmem:$0x1FF30]  }
0x442: {  	v30 =	vld [tilespmem:$0x1FEC0]  }
0x443: {  	v31 =	vld [tilespmem:$0x1FED0]  }
0x444: {  	v42 =	vld [tilespmem:$0x1FEE0]  }
0x445: {  	v50 =	vld [tilespmem:$0x1FFC0]  }
0x446: {  	v23 =	vld [tilespmem:$0x1FE80]  }
0x447: {  	v27 =	vld [tilespmem:$0x1FE90]  }
0x448: {  	v39 =	vld [tilespmem:$0x1FEA0]  }
0x449: {  	v40 =	vld [tilespmem:$0x1FEB0]  }
0x44a: {  	v59 =	vld [tilespmem:$0x1FFE0]  }
0x44b: {  	v26 =	vld [tilespmem:$0x1FE40]  }
0x44c: {  	v35 =	vld [tilespmem:$0x1FE50]  }
0x44d: {  	v37 =	vld [tilespmem:$0x1FE60]  }
0x44e: {  	v17 =	vld [tilespmem:$0x1FE30]  }
0x44f: {  	v19 =	vld [tilespmem:$0x1FE00]  }
0x450: {  	v62 =	vld [tilespmem:$0x1FE20]  }
0x451: {  	v38 =	vld [tilespmem:$0x1FE70]  }
0x452: {  	v14 =	vld [tilespmem:$0x1FDE0]  }
0x453: {  	v15 =	vld [tilespmem:$0x1FDF0]  }
0x454: {  	v24 =	vld [tilespmem:$0x1FE10]  }
0x455: {  	v34 =	vld [tilespmem:$0x1FF10]  }
0x456: {  	v10 =	vld [tilespmem:$0x1FD90]  }
0x457: {  	v11 =	vld [tilespmem:$0x1FDA0]  }
0x458: {  	v18 =	vld [tilespmem:$0x1FDD0]  }
0x459: {  	v25 =	vld [tilespmem:$0x1FDB0]  }
0x45a: {  	v13 =	vld [tilespmem:$0x1FD80]  }
0x45b: {  	v16 =	vld [tilespmem:$0x1FD70]  }
0x45c: {  	v63 =	vld [tilespmem:$0x1FDC0]  }
0x45d: {  	v52 =	vld [tilespmem:$0x1FF60]  }
0x45e: {  	v12 =	vld [tilespmem:$0x1FD40]  }
0x45f: {  	v20 =	vld [tilespmem:$0x1FD50]  }
0x460: {  	v29 =	vld [tilespmem:$0x1FD60]  }
0x461: {  	v53 =	vld [tilespmem:$0x1FF70]  }
0x462: {  	v21 =	vld [tilespmem:$0x1FD10]  }
0x463: {  	v28 =	vld [tilespmem:$0x1FD20]  }
0x464: {  	v48 =	vld [tilespmem:$0x1FD30]  }
0x465: {  	v54 =	vld [tilespmem:$0x1FF90]  }
0x466: {  	v36 =	vld [tilespmem:$0x1FCF0]  }
0x467: {  	s17 =	sadd.s32 $0x1, s17;
	v41 =	vld [tilespmem:$0x1FCE0]  }
0x468: {  	p0 =	sne.s32 s17, s9;
	v45 =	vld [tilespmem:$0x1FD00]  }
.Ltmp2:
0x469: {  	v55 =	vld [tilespmem:$0x1FF80];
	(pc) =	sbr.rel @p0 .LBB2_1-.Ltmp2, $4  }
0x46a: {  	v56 =	vld [tilespmem:$0x1FF50]  }
0x46b: {  	v57 =	vld [tilespmem:$0x1FFA0]  }
0x46c: {  	[sflag:s11] =	ssyncset.done $0x0;
	v58 =	vld [tilespmem:$0x1FFD0]  }
0x46d: {  	v60 =	vld [tilespmem:$0x1FFB0];
	[sflag:s11] =	ssyncadd.s32 $0xFFFFFC00  }
0x46e: {  	_ =	sfence.sel $0x180000  }
0x46f: {  	[bflag:$0x0] =	sbarrier.arrive $0xFFFF  }
0x470: {  	p0 =	sne.s32 s1, $0x0;
	_ =	strace $0x90000047  }
0x471: {  	s0 =	sadd.s32 @!p0 $0x100000, s2;
	[bflag:$0x2] =	sbarrier.arrive $0xFFFF  }
0x472: {  	[sflag:s0] =	ssyncadd.tile.s32 @!p0 $0x1;
	_ =	shalt  }
.Lfunc_end2:
_tile_overlayer_lowered:
.L_overlay_start_2:
0x473: {  	(tag) =	ssettag $0x2  }
0x474: {  	s0 =	rddreg [dreg:$0x0];
	s2 =	stileid.u32  }
0x475: {  	s1 =	rddreg [dreg:$0x1];
	p0 =	sne.s32 s2, $0x0  }
0x476: {  	s3 =	rddreg [dreg:$0x2];
	[bflag:$0x3] =	sbarrier.arrive $0xFFFF;
	s2 =	simm.s32 @!p0 $0x1C02  }
0x477: {  	[timem:s3], [sflag:s2] =	dma.local @!p0 [hbm:s0], s1  }
0x478: {  	s0 =	simm.s32 @!p0 $0x2  }
0x479: {  	_ =	swait.ge @!p0 [sflag:s0], s1  }
0x47a: {  	s1 =	ssub.s32 @!p0 $0x0, s1;
	[sflag:s0] =	ssyncset.done @!p0 $0x0  }
0x47b: {  	[sflag:s0] =	ssyncadd.s32 @!p0 s1  }
0x47c: {  	[bflag:$0x3] =	sbarrier.arrive $0xFFFF  }
0x47d: {  	_ =	shalt  }

</sc_bundles>
